<compile_context>
chip_gen: v7x
topology: tpu7x:2x2x1
jax: 0.10.2.dev20260603
libtpu: 0.0.44.dev20260713+nightly
codegen_flags: <defaults>
</compile_context>

<pallas_src>
import functools

import jax
import jax.numpy as jnp
from jax import lax
from jax.experimental import pallas as pl
from jax.experimental.pallas import tpu as pltpu
from jax.experimental.pallas import tpu_sc as plsc

MINPOS = -32
NBIN = 65
B = 2
L = 512
D = 128
NC = 2
NS = 16
NW = NC * NS
PAIRS = B * L
PAIRS_PER_W = PAIRS // NW
CHUNK = 128
NCHUNK = L // CHUNK
GSEG = 128


def _sc_body(
    x_hbm, idx_hbm, tab_hbm, out_hbm,
    idx_v, ib_v, xbuf, sem_in, sem_out, tab_sp,
):
    cid = lax.axis_index("c")
    sid = lax.axis_index("s")
    wid = sid * NC + cid

    @pl.when(sid == 0)
    def _():
        pltpu.sync_copy(tab_hbm, tab_sp)

    pltpu.sync_copy(idx_hbm, idx_v)
    plsc.subcore_barrier()

    nchunks = PAIRS_PER_W * NCHUNK

    def chunk_row0(t):
        pair = wid * PAIRS_PER_W + (t // NCHUNK)
        return pair, pair * L + (t % NCHUNK) * CHUNK

    def stage_in(t, k):
        pair, row0 = chunk_row0(t)
        b = pair // L
        jbase = b * L + (t % NCHUNK) * CHUNK
        vi = plsc.load_gather(idx_v, [jnp.full((16,), pair, jnp.int32)])
        for g in range(CHUNK // 16):
            jv = idx_v[pl.ds(jbase + g * 16, 16)]
            ib_v[k, pl.ds(g * 16, 16)] = jnp.clip(jv - vi - MINPOS, 0, NBIN - 1)
        pltpu.async_copy(x_hbm.at[pl.ds(row0, CHUNK)], xbuf.at[k], sem_in.at[k])

    stage_in(0, 0)

    def chunk_body(it, _):
        for k in (0, 1):
            t = 2 * it + k

            @pl.when(t >= 1)
            def _():
                _, prow0 = chunk_row0(t - 1)
                pltpu.make_async_copy(
                    xbuf.at[k ^ 1], out_hbm.at[pl.ds(prow0, CHUNK)],
                    sem_out.at[k ^ 1],
                ).wait()

            @pl.when(t + 1 < nchunks)
            def _():
                stage_in(t + 1, k ^ 1)

            _, row0 = chunk_row0(t)
            pltpu.make_async_copy(
                x_hbm.at[pl.ds(row0, CHUNK)], xbuf.at[k], sem_in.at[k]
            ).wait()
            for s in range(CHUNK // GSEG):
                pltpu.sync_copy(
                    tab_sp.at[ib_v.at[k, pl.ds(s * GSEG, GSEG)]],
                    xbuf.at[k, pl.ds(s * GSEG, GSEG)],
                    add=True,
                )
            pltpu.async_copy(
                xbuf.at[k], out_hbm.at[pl.ds(row0, CHUNK)], sem_out.at[k]
            )
        return _

    lax.fori_loop(0, nchunks // 2, chunk_body, 0)

    t = nchunks - 1
    _, row0 = chunk_row0(t)
    pltpu.make_async_copy(
        xbuf.at[t % 2], out_hbm.at[pl.ds(row0, CHUNK)], sem_out.at[t % 2]
    ).wait()


def kernel(x, idx, emb_table):
    idx32 = idx.astype(jnp.int32).reshape(B * L)
    x_flat = x.reshape(B * L * L, D)
    mesh = plsc.VectorSubcoreMesh(core_axis_name="c", subcore_axis_name="s")
    out = pl.kernel(
        _sc_body,
        out_type=jax.ShapeDtypeStruct((B * L * L, D), jnp.float32),
        mesh=mesh,
        compiler_params=pltpu.CompilerParams(needs_layout_passes=False),
        scratch_types=[
            pltpu.VMEM((B * L,), jnp.int32),
            pltpu.VMEM((2, CHUNK), jnp.int32),
            pltpu.VMEM((2, CHUNK, D), jnp.float32),
            pltpu.SemaphoreType.DMA((2,)),
            pltpu.SemaphoreType.DMA((2,)),
            pltpu.VMEM_SHARED((NBIN, D), jnp.float32),
        ],
    )(x_flat, idx32, emb_table)
    return out.reshape(B, L, L, D)

# --- scband reference (transcript-rebuilt; emitter-appended) ---
"""Pipeline reference for scband-positional-encoding2-d-188978561521 (READ-ONLY COPY).

The authoritative reference and input builder live on the scoring server;
editing this copy changes nothing except your own understanding.
"""

import jax, jax.numpy as jnp
import numpy as np

MINPOS = -32
MAXPOS = 32
NBIN = abs(MINPOS) + MAXPOS + 1  # 65
D_MODEL = 128
B = 2
L = 512


def setup_inputs(seed: int = 0) -> dict:
    key = jax.random.key(seed)
    k1, k2, k3 = jax.random.split(key, 3)
    x = jax.random.normal(k1, (B, L, L, D_MODEL), dtype=jnp.float32)
    idx = jnp.sort(jax.random.randint(k2, (B, L), 0, 1024, dtype=jnp.int64), axis=-1)
    emb_table = jax.random.normal(k3, (NBIN, D_MODEL), dtype=jnp.float32) * 0.02
    return {"x": x, "idx": idx, "emb_table": emb_table}


def reference(x, idx, emb_table):
    # bins = torch.arange(minpos, maxpos) -> length nbin-1 boundaries
    bins = jnp.arange(MINPOS, MAXPOS)
    # seqsep[b, i, j] = idx[b, j] - idx[b, i]
    seqsep = idx[:, None, :] - idx[:, :, None]
    # torch.bucketize(v, bins, right=False) == searchsorted side='left'
    ib = jnp.searchsorted(bins, seqsep, side="left")
    emb = jnp.take(emb_table, ib, axis=0)  # embedding gather -> [B, L, L, d_model]
    out = x + emb
    # Dropout is identity in eval mode
    return out

if __name__ == "__main__":
    import jax
    _d = setup_inputs()
    print(jax.jit(kernel)(*tuple(_d.values())))

</pallas_src>

<mosaic_0001>
#map = affine_map<(d0, d1) -> (0, 0)>
#map1 = affine_map<(d0, d1) -> (0)>
module attributes {stable_mosaic.version = 14 : i64} {
  func.func @_sc_body(%arg0: i32, %arg1: i32, %arg2: memref<524288x128xf32, #tpu.memory_space<hbm>>, %arg3: memref<1024xi32, #tpu.memory_space<hbm>>, %arg4: memref<65x128xf32, #tpu.memory_space<hbm>>, %arg5: memref<524288x128xf32, #tpu.memory_space<hbm>>, %arg6: memref<1024xi32, #tpu.memory_space<vmem>>, %arg7: memref<2x128xi32, #tpu.memory_space<vmem>>, %arg8: memref<2x128x128xf32, #tpu.memory_space<vmem>>, %arg9: memref<2x!tpu.dma_semaphore, #tpu.memory_space<semaphore_mem>>, %arg10: memref<2x!tpu.dma_semaphore, #tpu.memory_space<semaphore_mem>>, %arg11: memref<65x128xf32, #tpu.memory_space<vmem_shared>>) attributes {dimension_semantics = [#tpu.dimension_semantics<core_parallel>, #tpu.dimension_semantics<subcore_parallel>], iteration_bounds = array<i64: 2, 16>, scalar_prefetch = 0 : i64, scratch_operands = 6 : i64, tpu.core_type = #tpu.core_type<sc_vector_subcore>, window_params = [{transform_indices = #map}, {transform_indices = #map1}, {transform_indices = #map}, {transform_indices = #map}]} {
    %mul3A = arith.constant 2 : i32
    %mul3A_0 = arith.muli %arg1, %mul3A : i32
    %add3A = arith.addi %mul3A_0, %arg0 : i32
    %eq3A = arith.constant 0 : i32
    %eq3A_1 = arith.cmpi eq, %arg1, %eq3A : i32
    %convert_element_type3A = arith.extui %eq3A_1 : i1 to i32
    %cond3A = arith.constant 0 : i32
    %cond3A_2 = arith.cmpi ne, %convert_element_type3A, %cond3A : i32
    scf.if %cond3A_2 {
      "tpu.region"() ({
        %run_scoped3A = tpu.sem_alloc : memref<!tpu.dma_semaphore, #tpu.memory_space<semaphore_mem>>
        tpu.enqueue_dma source(%arg4 : memref<65x128xf32, #tpu.memory_space<hbm>>) target(%arg11 : memref<65x128xf32, #tpu.memory_space<vmem_shared>>) target_semaphore(%run_scoped3A : memref<!tpu.dma_semaphore, #tpu.memory_space<semaphore_mem>>)
        tpu.wait_dma2 semaphore(%run_scoped3A : memref<!tpu.dma_semaphore, #tpu.memory_space<semaphore_mem>>) src(%arg4 : memref<65x128xf32, #tpu.memory_space<hbm>>) dst(%arg11 : memref<65x128xf32, #tpu.memory_space<vmem_shared>>)
        tpu.yield
      }) : () -> ()
    } else {
    }
    "tpu.region"() ({
      %run_scoped3A = tpu.sem_alloc : memref<!tpu.dma_semaphore, #tpu.memory_space<semaphore_mem>>
      tpu.enqueue_dma source(%arg3 : memref<1024xi32, #tpu.memory_space<hbm>>) target(%arg6 : memref<1024xi32, #tpu.memory_space<vmem>>) target_semaphore(%run_scoped3A : memref<!tpu.dma_semaphore, #tpu.memory_space<semaphore_mem>>)
      tpu.wait_dma2 semaphore(%run_scoped3A : memref<!tpu.dma_semaphore, #tpu.memory_space<semaphore_mem>>) src(%arg3 : memref<1024xi32, #tpu.memory_space<hbm>>) dst(%arg6 : memref<1024xi32, #tpu.memory_space<vmem>>)
      tpu.yield
    }) : () -> ()
    %barrier3A = arith.constant 0 : index
    tpu.barrier barrier_id(%barrier3A)
    %mul3A_3 = arith.constant 32 : i32
    %mul3A_4 = arith.muli %add3A, %mul3A_3 : i32
    %add3A_5 = arith.constant 0 : i32
    %add3A_6 = arith.addi %mul3A_4, %add3A_5 : i32
    %mul3A_7 = arith.constant 512 : i32
    %mul3A_8 = arith.muli %add3A_6, %mul3A_7 : i32
    %add3A_9 = arith.constant 0 : i32
    %add3A_10 = arith.addi %mul3A_8, %add3A_9 : i32
    %jit3A = arith.constant 512 : i32
    %div3A = arith.divsi %add3A_6, %jit3A : i32
    %sign3A = arith.constant 0 : i32
    %sign3A_11 = arith.cmpi sgt, %add3A_6, %sign3A : i32
    %sign3A_12 = arith.extui %sign3A_11 : i1 to i32
    %sign3A_13 = arith.constant 0 : i32
    %sign3A_14 = arith.cmpi slt, %add3A_6, %sign3A_13 : i32
    %sign3A_15 = arith.extui %sign3A_14 : i1 to i32
    %sign3A_16 = arith.subi %sign3A_12, %sign3A_15 : i32
    %sign3A_17 = arith.constant 0 : i32
    %sign3A_18 = arith.cmpi sgt, %jit3A, %sign3A_17 : i32
    %sign3A_19 = arith.extui %sign3A_18 : i1 to i32
    %sign3A_20 = arith.constant 0 : i32
    %sign3A_21 = arith.cmpi slt, %jit3A, %sign3A_20 : i32
    %sign3A_22 = arith.extui %sign3A_21 : i1 to i32
    %sign3A_23 = arith.subi %sign3A_19, %sign3A_22 : i32
    %ne3A = arith.cmpi ne, %sign3A_16, %sign3A_23 : i32
    %rem3A = arith.remsi %add3A_6, %jit3A : i32
    %ne3A_24 = arith.constant 0 : i32
    %ne3A_25 = arith.cmpi ne, %rem3A, %ne3A_24 : i32
    %and3A = arith.andi %ne3A, %ne3A_25 : i1
    %sub3A = arith.constant 1 : i32
    %sub3A_26 = arith.subi %div3A, %sub3A : i32
    %select_n3A = arith.select %and3A, %sub3A_26, %div3A : i32
    %mul3A_27 = arith.constant 512 : i32
    %mul3A_28 = arith.muli %select_n3A, %mul3A_27 : i32
    %add3A_29 = arith.constant 0 : i32
    %add3A_30 = arith.addi %mul3A_28, %add3A_29 : i32
    %broadcast_in_dim3A = vector.broadcast %add3A_6 : i32 to vector<16xi32>
    %gather3A = tpu.vector_load_idx %arg6[%broadcast_in_dim3A] : memref<1024xi32, #tpu.memory_space<vmem>>[vector<16xi32>], vector<16xi32>,
    %add3A_31 = arith.constant 0 : i32
    %add3A_32 = arith.addi %add3A_30, %add3A_31 : i32
    %get3A = arith.index_cast %add3A_32 : i32 to index
    %get3A_33 = tpu.vector_load %arg6[%get3A] {strides = array<i32>} : memref<1024xi32, #tpu.memory_space<vmem>>, vector<16xi32>,
    %sub3A_34 = arith.subi %get3A_33, %gather3A : vector<16xi32>
    %sub3A_35 = arith.constant -32 : i32
    %sub3A_36 = vector.broadcast %sub3A_35 : i32 to vector<16xi32>
    %sub3A_37 = arith.subi %sub3A_34, %sub3A_36 : vector<16xi32>
    %jit3A_38 = arith.constant 0 : i32
    %jit3A_39 = arith.constant 64 : i32
    %max3A = vector.broadcast %jit3A_38 : i32 to vector<16xi32>
    %max3A_40 = arith.maxsi %max3A, %sub3A_37 : vector<16xi32>
    %min3A = vector.broadcast %jit3A_39 : i32 to vector<16xi32>
    %min3A_41 = arith.minsi %min3A, %max3A_40 : vector<16xi32>
    %swap3A = arith.constant 0 : i32
    %swap3A_42 = arith.index_cast %swap3A : i32 to index
    %swap3A_43 = arith.constant 0 : index
    %swap3A_44 = tpu.vector_load %arg7[%swap3A_42, %swap3A_43] {strides = array<i32>} : memref<2x128xi32, #tpu.memory_space<vmem>>, vector<16xi32>,
    tpu.vector_store %arg7[%swap3A_42, %swap3A_43], %min3A_41 {strides = array<i32>} : memref<2x128xi32, #tpu.memory_space<vmem>>, vector<16xi32>,
    %add3A_45 = arith.constant 16 : i32
    %add3A_46 = arith.addi %add3A_30, %add3A_45 : i32
    %get3A_47 = arith.index_cast %add3A_46 : i32 to index
    %get3A_48 = tpu.vector_load %arg6[%get3A_47] {strides = array<i32>} : memref<1024xi32, #tpu.memory_space<vmem>>, vector<16xi32>,
    %sub3A_49 = arith.subi %get3A_48, %gather3A : vector<16xi32>
    %sub3A_50 = arith.constant -32 : i32
    %sub3A_51 = vector.broadcast %sub3A_50 : i32 to vector<16xi32>
    %sub3A_52 = arith.subi %sub3A_49, %sub3A_51 : vector<16xi32>
    %jit3A_53 = arith.constant 0 : i32
    %jit3A_54 = arith.constant 64 : i32
    %max3A_55 = vector.broadcast %jit3A_53 : i32 to vector<16xi32>
    %max3A_56 = arith.maxsi %max3A_55, %sub3A_52 : vector<16xi32>
    %min3A_57 = vector.broadcast %jit3A_54 : i32 to vector<16xi32>
    %min3A_58 = arith.minsi %min3A_57, %max3A_56 : vector<16xi32>
    %swap3A_59 = arith.constant 0 : i32
    %swap3A_60 = arith.index_cast %swap3A_59 : i32 to index
    %swap3A_61 = arith.constant 16 : index
    %swap3A_62 = tpu.vector_load %arg7[%swap3A_60, %swap3A_61] {strides = array<i32>} : memref<2x128xi32, #tpu.memory_space<vmem>>, vector<16xi32>,
    tpu.vector_store %arg7[%swap3A_60, %swap3A_61], %min3A_58 {strides = array<i32>} : memref<2x128xi32, #tpu.memory_space<vmem>>, vector<16xi32>,
    %add3A_63 = arith.constant 32 : i32
    %add3A_64 = arith.addi %add3A_30, %add3A_63 : i32
    %get3A_65 = arith.index_cast %add3A_64 : i32 to index
    %get3A_66 = tpu.vector_load %arg6[%get3A_65] {strides = array<i32>} : memref<1024xi32, #tpu.memory_space<vmem>>, vector<16xi32>,
    %sub3A_67 = arith.subi %get3A_66, %gather3A : vector<16xi32>
    %sub3A_68 = arith.constant -32 : i32
    %sub3A_69 = vector.broadcast %sub3A_68 : i32 to vector<16xi32>
    %sub3A_70 = arith.subi %sub3A_67, %sub3A_69 : vector<16xi32>
    %jit3A_71 = arith.constant 0 : i32
    %jit3A_72 = arith.constant 64 : i32
    %max3A_73 = vector.broadcast %jit3A_71 : i32 to vector<16xi32>
    %max3A_74 = arith.maxsi %max3A_73, %sub3A_70 : vector<16xi32>
    %min3A_75 = vector.broadcast %jit3A_72 : i32 to vector<16xi32>
    %min3A_76 = arith.minsi %min3A_75, %max3A_74 : vector<16xi32>
    %swap3A_77 = arith.constant 0 : i32
    %swap3A_78 = arith.index_cast %swap3A_77 : i32 to index
    %swap3A_79 = arith.constant 32 : index
    %swap3A_80 = tpu.vector_load %arg7[%swap3A_78, %swap3A_79] {strides = array<i32>} : memref<2x128xi32, #tpu.memory_space<vmem>>, vector<16xi32>,
    tpu.vector_store %arg7[%swap3A_78, %swap3A_79], %min3A_76 {strides = array<i32>} : memref<2x128xi32, #tpu.memory_space<vmem>>, vector<16xi32>,
    %add3A_81 = arith.constant 48 : i32
    %add3A_82 = arith.addi %add3A_30, %add3A_81 : i32
    %get3A_83 = arith.index_cast %add3A_82 : i32 to index
    %get3A_84 = tpu.vector_load %arg6[%get3A_83] {strides = array<i32>} : memref<1024xi32, #tpu.memory_space<vmem>>, vector<16xi32>,
    %sub3A_85 = arith.subi %get3A_84, %gather3A : vector<16xi32>
    %sub3A_86 = arith.constant -32 : i32
    %sub3A_87 = vector.broadcast %sub3A_86 : i32 to vector<16xi32>
    %sub3A_88 = arith.subi %sub3A_85, %sub3A_87 : vector<16xi32>
    %jit3A_89 = arith.constant 0 : i32
    %jit3A_90 = arith.constant 64 : i32
    %max3A_91 = vector.broadcast %jit3A_89 : i32 to vector<16xi32>
    %max3A_92 = arith.maxsi %max3A_91, %sub3A_88 : vector<16xi32>
    %min3A_93 = vector.broadcast %jit3A_90 : i32 to vector<16xi32>
    %min3A_94 = arith.minsi %min3A_93, %max3A_92 : vector<16xi32>
    %swap3A_95 = arith.constant 0 : i32
    %swap3A_96 = arith.index_cast %swap3A_95 : i32 to index
    %swap3A_97 = arith.constant 48 : index
    %swap3A_98 = tpu.vector_load %arg7[%swap3A_96, %swap3A_97] {strides = array<i32>} : memref<2x128xi32, #tpu.memory_space<vmem>>, vector<16xi32>,
    tpu.vector_store %arg7[%swap3A_96, %swap3A_97], %min3A_94 {strides = array<i32>} : memref<2x128xi32, #tpu.memory_space<vmem>>, vector<16xi32>,
    %add3A_99 = arith.constant 64 : i32
    %add3A_100 = arith.addi %add3A_30, %add3A_99 : i32
    %get3A_101 = arith.index_cast %add3A_100 : i32 to index
    %get3A_102 = tpu.vector_load %arg6[%get3A_101] {strides = array<i32>} : memref<1024xi32, #tpu.memory_space<vmem>>, vector<16xi32>,
    %sub3A_103 = arith.subi %get3A_102, %gather3A : vector<16xi32>
    %sub3A_104 = arith.constant -32 : i32
    %sub3A_105 = vector.broadcast %sub3A_104 : i32 to vector<16xi32>
    %sub3A_106 = arith.subi %sub3A_103, %sub3A_105 : vector<16xi32>
    %jit3A_107 = arith.constant 0 : i32
    %jit3A_108 = arith.constant 64 : i32
    %max3A_109 = vector.broadcast %jit3A_107 : i32 to vector<16xi32>
    %max3A_110 = arith.maxsi %max3A_109, %sub3A_106 : vector<16xi32>
    %min3A_111 = vector.broadcast %jit3A_108 : i32 to vector<16xi32>
    %min3A_112 = arith.minsi %min3A_111, %max3A_110 : vector<16xi32>
    %swap3A_113 = arith.constant 0 : i32
    %swap3A_114 = arith.index_cast %swap3A_113 : i32 to index
    %swap3A_115 = arith.constant 64 : index
    %swap3A_116 = tpu.vector_load %arg7[%swap3A_114, %swap3A_115] {strides = array<i32>} : memref<2x128xi32, #tpu.memory_space<vmem>>, vector<16xi32>,
    tpu.vector_store %arg7[%swap3A_114, %swap3A_115], %min3A_112 {strides = array<i32>} : memref<2x128xi32, #tpu.memory_space<vmem>>, vector<16xi32>,
    %add3A_117 = arith.constant 80 : i32
    %add3A_118 = arith.addi %add3A_30, %add3A_117 : i32
    %get3A_119 = arith.index_cast %add3A_118 : i32 to index
    %get3A_120 = tpu.vector_load %arg6[%get3A_119] {strides = array<i32>} : memref<1024xi32, #tpu.memory_space<vmem>>, vector<16xi32>,
    %sub3A_121 = arith.subi %get3A_120, %gather3A : vector<16xi32>
    %sub3A_122 = arith.constant -32 : i32
    %sub3A_123 = vector.broadcast %sub3A_122 : i32 to vector<16xi32>
    %sub3A_124 = arith.subi %sub3A_121, %sub3A_123 : vector<16xi32>
    %jit3A_125 = arith.constant 0 : i32
    %jit3A_126 = arith.constant 64 : i32
    %max3A_127 = vector.broadcast %jit3A_125 : i32 to vector<16xi32>
    %max3A_128 = arith.maxsi %max3A_127, %sub3A_124 : vector<16xi32>
    %min3A_129 = vector.broadcast %jit3A_126 : i32 to vector<16xi32>
    %min3A_130 = arith.minsi %min3A_129, %max3A_128 : vector<16xi32>
    %swap3A_131 = arith.constant 0 : i32
    %swap3A_132 = arith.index_cast %swap3A_131 : i32 to index
    %swap3A_133 = arith.constant 80 : index
    %swap3A_134 = tpu.vector_load %arg7[%swap3A_132, %swap3A_133] {strides = array<i32>} : memref<2x128xi32, #tpu.memory_space<vmem>>, vector<16xi32>,
    tpu.vector_store %arg7[%swap3A_132, %swap3A_133], %min3A_130 {strides = array<i32>} : memref<2x128xi32, #tpu.memory_space<vmem>>, vector<16xi32>,
    %add3A_135 = arith.constant 96 : i32
    %add3A_136 = arith.addi %add3A_30, %add3A_135 : i32
    %get3A_137 = arith.index_cast %add3A_136 : i32 to index
    %get3A_138 = tpu.vector_load %arg6[%get3A_137] {strides = array<i32>} : memref<1024xi32, #tpu.memory_space<vmem>>, vector<16xi32>,
    %sub3A_139 = arith.subi %get3A_138, %gather3A : vector<16xi32>
    %sub3A_140 = arith.constant -32 : i32
    %sub3A_141 = vector.broadcast %sub3A_140 : i32 to vector<16xi32>
    %sub3A_142 = arith.subi %sub3A_139, %sub3A_141 : vector<16xi32>
    %jit3A_143 = arith.constant 0 : i32
    %jit3A_144 = arith.constant 64 : i32
    %max3A_145 = vector.broadcast %jit3A_143 : i32 to vector<16xi32>
    %max3A_146 = arith.maxsi %max3A_145, %sub3A_142 : vector<16xi32>
    %min3A_147 = vector.broadcast %jit3A_144 : i32 to vector<16xi32>
    %min3A_148 = arith.minsi %min3A_147, %max3A_146 : vector<16xi32>
    %swap3A_149 = arith.constant 0 : i32
    %swap3A_150 = arith.index_cast %swap3A_149 : i32 to index
    %swap3A_151 = arith.constant 96 : index
    %swap3A_152 = tpu.vector_load %arg7[%swap3A_150, %swap3A_151] {strides = array<i32>} : memref<2x128xi32, #tpu.memory_space<vmem>>, vector<16xi32>,
    tpu.vector_store %arg7[%swap3A_150, %swap3A_151], %min3A_148 {strides = array<i32>} : memref<2x128xi32, #tpu.memory_space<vmem>>, vector<16xi32>,
    %add3A_153 = arith.constant 112 : i32
    %add3A_154 = arith.addi %add3A_30, %add3A_153 : i32
    %get3A_155 = arith.index_cast %add3A_154 : i32 to index
    %get3A_156 = tpu.vector_load %arg6[%get3A_155] {strides = array<i32>} : memref<1024xi32, #tpu.memory_space<vmem>>, vector<16xi32>,
    %sub3A_157 = arith.subi %get3A_156, %gather3A : vector<16xi32>
    %sub3A_158 = arith.constant -32 : i32
    %sub3A_159 = vector.broadcast %sub3A_158 : i32 to vector<16xi32>
    %sub3A_160 = arith.subi %sub3A_157, %sub3A_159 : vector<16xi32>
    %jit3A_161 = arith.constant 0 : i32
    %jit3A_162 = arith.constant 64 : i32
    %max3A_163 = vector.broadcast %jit3A_161 : i32 to vector<16xi32>
    %max3A_164 = arith.maxsi %max3A_163, %sub3A_160 : vector<16xi32>
    %min3A_165 = vector.broadcast %jit3A_162 : i32 to vector<16xi32>
    %min3A_166 = arith.minsi %min3A_165, %max3A_164 : vector<16xi32>
    %swap3A_167 = arith.constant 0 : i32
    %swap3A_168 = arith.index_cast %swap3A_167 : i32 to index
    %swap3A_169 = arith.constant 112 : index
    %swap3A_170 = tpu.vector_load %arg7[%swap3A_168, %swap3A_169] {strides = array<i32>} : memref<2x128xi32, #tpu.memory_space<vmem>>, vector<16xi32>,
    tpu.vector_store %arg7[%swap3A_168, %swap3A_169], %min3A_166 {strides = array<i32>} : memref<2x128xi32, #tpu.memory_space<vmem>>, vector<16xi32>,
    %dma_start3A = arith.constant 0 : i32
    %dma_start3A_171 = arith.constant 0 : i32
    %dma_start3A_172 = arith.constant 0 : i32
    %dma_start3A_173 = arith.constant 0 : i32
    %dma_start3A_174 = tpu.memref_slice %arg8[%dma_start3A, %dma_start3A_172, %dma_start3A_173] : memref<2x128x128xf32, #tpu.memory_space<vmem>> -> memref<1x128x128xf32, #tpu.memory_space<vmem>>
    %dma_start3A_175 = tpu.memref_squeeze %dma_start3A_174 : memref<1x128x128xf32, #tpu.memory_space<vmem>> -> memref<128x128xf32, #tpu.memory_space<vmem>>
    %dma_start3A_176 = arith.constant 0 : i32
    %dma_start3A_177 = tpu.memref_slice %arg2[%add3A_10, %dma_start3A_176] : memref<524288x128xf32, #tpu.memory_space<hbm>> -> memref<128x128xf32, #tpu.memory_space<hbm>>
    %dma_start3A_178 = tpu.memref_slice %arg9[%dma_start3A_171] : memref<2x!tpu.dma_semaphore, #tpu.memory_space<semaphore_mem>> -> memref<1x!tpu.dma_semaphore, #tpu.memory_space<semaphore_mem>>
    %dma_start3A_179 = tpu.memref_squeeze %dma_start3A_178 : memref<1x!tpu.dma_semaphore, #tpu.memory_space<semaphore_mem>> -> memref<!tpu.dma_semaphore, #tpu.memory_space<semaphore_mem>>
    %dma_start3A_180 = arith.constant 0 : i32
    %dma_start3A_181 = arith.constant 0 : i32
    %dma_start3A_182 = tpu.memref_slice %arg8[%dma_start3A, %dma_start3A_180, %dma_start3A_181] : memref<2x128x128xf32, #tpu.memory_space<vmem>> -> memref<1x128x128xf32, #tpu.memory_space<vmem>>
    %dma_start3A_183 = tpu.memref_squeeze %dma_start3A_182 : memref<1x128x128xf32, #tpu.memory_space<vmem>> -> memref<128x128xf32, #tpu.memory_space<vmem>>
    %dma_start3A_184 = arith.constant 0 : i32
    %dma_start3A_185 = tpu.memref_slice %arg2[%add3A_10, %dma_start3A_184] : memref<524288x128xf32, #tpu.memory_space<hbm>> -> memref<128x128xf32, #tpu.memory_space<hbm>>
    tpu.enqueue_dma source(%dma_start3A_185 : memref<128x128xf32, #tpu.memory_space<hbm>>) target(%dma_start3A_183 : memref<128x128xf32, #tpu.memory_space<vmem>>) target_semaphore(%dma_start3A_179 : memref<!tpu.dma_semaphore, #tpu.memory_space<semaphore_mem>>)
    %scan3A = arith.constant 0 : i32
    %scan3A_186 = arith.constant 0 : i32
    %scan3A_187 = arith.constant 64 : i32
    %scan3A_188 = arith.addi %scan3A_186, %scan3A_187 : i32
    %scan3A_189 = arith.constant 1 : i32
    %scan3A_190 = scf.for %scan3A_215 = %scan3A_186 to %scan3A_188 step %scan3A_189 iter_args(%scan3A_216 = %scan3A) -> (i32)  : i32 {
      %mul3A_217 = arith.constant 2 : i32
      %mul3A_218 = arith.muli %mul3A_217, %scan3A_215 : i32
      %add3A_219 = arith.constant 0 : i32
      %add3A_220 = arith.addi %mul3A_218, %add3A_219 : i32
      %ge3A = arith.constant 1 : i32
      %ge3A_221 = arith.cmpi sge, %add3A_220, %ge3A : i32
      %convert_element_type3A_222 = arith.extui %ge3A_221 : i1 to i32
      %cond3A_223 = arith.constant 0 : i32
      %cond3A_224 = arith.cmpi ne, %convert_element_type3A_222, %cond3A_223 : i32
      scf.if %cond3A_224 {
        %sub3A_410 = arith.constant 1 : i32
        %sub3A_411 = arith.subi %add3A_220, %sub3A_410 : i32
        %mul3A_412 = arith.constant 32 : i32
        %mul3A_413 = arith.muli %add3A, %mul3A_412 : i32
        %jit3A_414 = arith.constant 4 : i32
        %div3A_415 = arith.divsi %sub3A_411, %jit3A_414 : i32
        %sign3A_416 = arith.constant 0 : i32
        %sign3A_417 = arith.cmpi sgt, %sub3A_411, %sign3A_416 : i32
        %sign3A_418 = arith.extui %sign3A_417 : i1 to i32
        %sign3A_419 = arith.constant 0 : i32
        %sign3A_420 = arith.cmpi slt, %sub3A_411, %sign3A_419 : i32
        %sign3A_421 = arith.extui %sign3A_420 : i1 to i32
        %sign3A_422 = arith.subi %sign3A_418, %sign3A_421 : i32
        %sign3A_423 = arith.constant 0 : i32
        %sign3A_424 = arith.cmpi sgt, %jit3A_414, %sign3A_423 : i32
        %sign3A_425 = arith.extui %sign3A_424 : i1 to i32
        %sign3A_426 = arith.constant 0 : i32
        %sign3A_427 = arith.cmpi slt, %jit3A_414, %sign3A_426 : i32
        %sign3A_428 = arith.extui %sign3A_427 : i1 to i32
        %sign3A_429 = arith.subi %sign3A_425, %sign3A_428 : i32
        %ne3A_430 = arith.cmpi ne, %sign3A_422, %sign3A_429 : i32
        %rem3A_431 = arith.remsi %sub3A_411, %jit3A_414 : i32
        %ne3A_432 = arith.constant 0 : i32
        %ne3A_433 = arith.cmpi ne, %rem3A_431, %ne3A_432 : i32
        %and3A_434 = arith.andi %ne3A_430, %ne3A_433 : i1
        %sub3A_435 = arith.constant 1 : i32
        %sub3A_436 = arith.subi %div3A_415, %sub3A_435 : i32
        %select_n3A_437 = arith.select %and3A_434, %sub3A_436, %div3A_415 : i32
        %add3A_438 = arith.addi %mul3A_413, %select_n3A_437 : i32
        %mul3A_439 = arith.constant 512 : i32
        %mul3A_440 = arith.muli %add3A_438, %mul3A_439 : i32
        %jit3A_441 = arith.constant 4 : i32
        %eq3A_442 = arith.constant 0 : i32
        %eq3A_443 = arith.cmpi eq, %jit3A_441, %eq3A_442 : i32
        %jit3A_444 = arith.constant 1 : i32
        %select_n3A_445 = arith.select %eq3A_443, %jit3A_444, %jit3A_441 : i32
        %rem3A_446 = arith.remsi %sub3A_411, %select_n3A_445 : i32
        %ne3A_447 = arith.constant 0 : i32
        %ne3A_448 = arith.cmpi ne, %rem3A_446, %ne3A_447 : i32
        %lt3A_449 = arith.constant 0 : i32
        %lt3A_450 = arith.cmpi slt, %rem3A_446, %lt3A_449 : i32
        %lt3A_451 = arith.constant 0 : i32
        %lt3A_452 = arith.cmpi slt, %select_n3A_445, %lt3A_451 : i32
        %ne3A_453 = arith.xori %lt3A_450, %lt3A_452 : i1
        %and3A_454 = arith.andi %ne3A_453, %ne3A_448 : i1
        %add3A_455 = arith.addi %rem3A_446, %select_n3A_445 : i32
        %select_n3A_456 = arith.select %and3A_454, %add3A_455, %rem3A_446 : i32
        %mul3A_457 = arith.constant 128 : i32
        %mul3A_458 = arith.muli %select_n3A_456, %mul3A_457 : i32
        %add3A_459 = arith.addi %mul3A_440, %mul3A_458 : i32
        %dma_wait3A_460 = arith.constant 1 : i32
        %dma_wait3A_461 = arith.constant 1 : i32
        %dma_wait3A_462 = arith.constant 0 : i32
        %dma_wait3A_463 = arith.constant 0 : i32
        %dma_wait3A_464 = tpu.memref_slice %arg8[%dma_wait3A_460, %dma_wait3A_462, %dma_wait3A_463] : memref<2x128x128xf32, #tpu.memory_space<vmem>> -> memref<1x128x128xf32, #tpu.memory_space<vmem>>
        %dma_wait3A_465 = tpu.memref_squeeze %dma_wait3A_464 : memref<1x128x128xf32, #tpu.memory_space<vmem>> -> memref<128x128xf32, #tpu.memory_space<vmem>>
        %dma_wait3A_466 = arith.constant 0 : i32
        %dma_wait3A_467 = tpu.memref_slice %arg5[%add3A_459, %dma_wait3A_466] : memref<524288x128xf32, #tpu.memory_space<hbm>> -> memref<128x128xf32, #tpu.memory_space<hbm>>
        %dma_wait3A_468 = tpu.memref_slice %arg10[%dma_wait3A_461] : memref<2x!tpu.dma_semaphore, #tpu.memory_space<semaphore_mem>> -> memref<1x!tpu.dma_semaphore, #tpu.memory_space<semaphore_mem>>
        %dma_wait3A_469 = tpu.memref_squeeze %dma_wait3A_468 : memref<1x!tpu.dma_semaphore, #tpu.memory_space<semaphore_mem>> -> memref<!tpu.dma_semaphore, #tpu.memory_space<semaphore_mem>>
        %dma_wait3A_470 = arith.constant 0 : i32
        %dma_wait3A_471 = tpu.memref_slice %arg5[%add3A_459, %dma_wait3A_470] : memref<524288x128xf32, #tpu.memory_space<hbm>> -> memref<128x128xf32, #tpu.memory_space<hbm>>
        %dma_wait3A_472 = arith.constant 0 : i32
        %dma_wait3A_473 = arith.constant 0 : i32
        %dma_wait3A_474 = tpu.memref_slice %arg8[%dma_wait3A_460, %dma_wait3A_472, %dma_wait3A_473] : memref<2x128x128xf32, #tpu.memory_space<vmem>> -> memref<1x128x128xf32, #tpu.memory_space<vmem>>
        %dma_wait3A_475 = tpu.memref_squeeze %dma_wait3A_474 : memref<1x128x128xf32, #tpu.memory_space<vmem>> -> memref<128x128xf32, #tpu.memory_space<vmem>>
        tpu.wait_dma2 semaphore(%dma_wait3A_469 : memref<!tpu.dma_semaphore, #tpu.memory_space<semaphore_mem>>) src(%dma_wait3A_475 : memref<128x128xf32, #tpu.memory_space<vmem>>) dst(%dma_wait3A_471 : memref<128x128xf32, #tpu.memory_space<hbm>>)
      } else {
      }
      %add3A_225 = arith.constant 1 : i32
      %add3A_226 = arith.addi %add3A_220, %add3A_225 : i32
      %lt3A = arith.constant 128 : i32
      %lt3A_227 = arith.cmpi slt, %add3A_226, %lt3A : i32
      %convert_element_type3A_228 = arith.extui %lt3A_227 : i1 to i32
      %cond3A_229 = arith.constant 0 : i32
      %cond3A_230 = arith.cmpi ne, %convert_element_type3A_228, %cond3A_229 : i32
      scf.if %cond3A_230 {
        %add3A_410 = arith.constant 1 : i32
        %add3A_411 = arith.addi %add3A_220, %add3A_410 : i32
        %mul3A_412 = arith.constant 32 : i32
        %mul3A_413 = arith.muli %add3A, %mul3A_412 : i32
        %jit3A_414 = arith.constant 4 : i32
        %div3A_415 = arith.divsi %add3A_411, %jit3A_414 : i32
        %sign3A_416 = arith.constant 0 : i32
        %sign3A_417 = arith.cmpi sgt, %add3A_411, %sign3A_416 : i32
        %sign3A_418 = arith.extui %sign3A_417 : i1 to i32
        %sign3A_419 = arith.constant 0 : i32
        %sign3A_420 = arith.cmpi slt, %add3A_411, %sign3A_419 : i32
        %sign3A_421 = arith.extui %sign3A_420 : i1 to i32
        %sign3A_422 = arith.subi %sign3A_418, %sign3A_421 : i32
        %sign3A_423 = arith.constant 0 : i32
        %sign3A_424 = arith.cmpi sgt, %jit3A_414, %sign3A_423 : i32
        %sign3A_425 = arith.extui %sign3A_424 : i1 to i32
        %sign3A_426 = arith.constant 0 : i32
        %sign3A_427 = arith.cmpi slt, %jit3A_414, %sign3A_426 : i32
        %sign3A_428 = arith.extui %sign3A_427 : i1 to i32
        %sign3A_429 = arith.subi %sign3A_425, %sign3A_428 : i32
        %ne3A_430 = arith.cmpi ne, %sign3A_422, %sign3A_429 : i32
        %rem3A_431 = arith.remsi %add3A_411, %jit3A_414 : i32
        %ne3A_432 = arith.constant 0 : i32
        %ne3A_433 = arith.cmpi ne, %rem3A_431, %ne3A_432 : i32
        %and3A_434 = arith.andi %ne3A_430, %ne3A_433 : i1
        %sub3A_435 = arith.constant 1 : i32
        %sub3A_436 = arith.subi %div3A_415, %sub3A_435 : i32
        %select_n3A_437 = arith.select %and3A_434, %sub3A_436, %div3A_415 : i32
        %add3A_438 = arith.addi %mul3A_413, %select_n3A_437 : i32
        %mul3A_439 = arith.constant 512 : i32
        %mul3A_440 = arith.muli %add3A_438, %mul3A_439 : i32
        %jit3A_441 = arith.constant 4 : i32
        %eq3A_442 = arith.constant 0 : i32
        %eq3A_443 = arith.cmpi eq, %jit3A_441, %eq3A_442 : i32
        %jit3A_444 = arith.constant 1 : i32
        %select_n3A_445 = arith.select %eq3A_443, %jit3A_444, %jit3A_441 : i32
        %rem3A_446 = arith.remsi %add3A_411, %select_n3A_445 : i32
        %ne3A_447 = arith.constant 0 : i32
        %ne3A_448 = arith.cmpi ne, %rem3A_446, %ne3A_447 : i32
        %lt3A_449 = arith.constant 0 : i32
        %lt3A_450 = arith.cmpi slt, %rem3A_446, %lt3A_449 : i32
        %lt3A_451 = arith.constant 0 : i32
        %lt3A_452 = arith.cmpi slt, %select_n3A_445, %lt3A_451 : i32
        %ne3A_453 = arith.xori %lt3A_450, %lt3A_452 : i1
        %and3A_454 = arith.andi %ne3A_453, %ne3A_448 : i1
        %add3A_455 = arith.addi %rem3A_446, %select_n3A_445 : i32
        %select_n3A_456 = arith.select %and3A_454, %add3A_455, %rem3A_446 : i32
        %mul3A_457 = arith.constant 128 : i32
        %mul3A_458 = arith.muli %select_n3A_456, %mul3A_457 : i32
        %add3A_459 = arith.addi %mul3A_440, %mul3A_458 : i32
        %jit3A_460 = arith.constant 512 : i32
        %div3A_461 = arith.divsi %add3A_438, %jit3A_460 : i32
        %sign3A_462 = arith.constant 0 : i32
        %sign3A_463 = arith.cmpi sgt, %add3A_438, %sign3A_462 : i32
        %sign3A_464 = arith.extui %sign3A_463 : i1 to i32
        %sign3A_465 = arith.constant 0 : i32
        %sign3A_466 = arith.cmpi slt, %add3A_438, %sign3A_465 : i32
        %sign3A_467 = arith.extui %sign3A_466 : i1 to i32
        %sign3A_468 = arith.subi %sign3A_464, %sign3A_467 : i32
        %sign3A_469 = arith.constant 0 : i32
        %sign3A_470 = arith.cmpi sgt, %jit3A_460, %sign3A_469 : i32
        %sign3A_471 = arith.extui %sign3A_470 : i1 to i32
        %sign3A_472 = arith.constant 0 : i32
        %sign3A_473 = arith.cmpi slt, %jit3A_460, %sign3A_472 : i32
        %sign3A_474 = arith.extui %sign3A_473 : i1 to i32
        %sign3A_475 = arith.subi %sign3A_471, %sign3A_474 : i32
        %ne3A_476 = arith.cmpi ne, %sign3A_468, %sign3A_475 : i32
        %rem3A_477 = arith.remsi %add3A_438, %jit3A_460 : i32
        %ne3A_478 = arith.constant 0 : i32
        %ne3A_479 = arith.cmpi ne, %rem3A_477, %ne3A_478 : i32
        %and3A_480 = arith.andi %ne3A_476, %ne3A_479 : i1
        %sub3A_481 = arith.constant 1 : i32
        %sub3A_482 = arith.subi %div3A_461, %sub3A_481 : i32
        %select_n3A_483 = arith.select %and3A_480, %sub3A_482, %div3A_461 : i32
        %mul3A_484 = arith.constant 512 : i32
        %mul3A_485 = arith.muli %select_n3A_483, %mul3A_484 : i32
        %jit3A_486 = arith.constant 4 : i32
        %eq3A_487 = arith.constant 0 : i32
        %eq3A_488 = arith.cmpi eq, %jit3A_486, %eq3A_487 : i32
        %jit3A_489 = arith.constant 1 : i32
        %select_n3A_490 = arith.select %eq3A_488, %jit3A_489, %jit3A_486 : i32
        %rem3A_491 = arith.remsi %add3A_411, %select_n3A_490 : i32
        %ne3A_492 = arith.constant 0 : i32
        %ne3A_493 = arith.cmpi ne, %rem3A_491, %ne3A_492 : i32
        %lt3A_494 = arith.constant 0 : i32
        %lt3A_495 = arith.cmpi slt, %rem3A_491, %lt3A_494 : i32
        %lt3A_496 = arith.constant 0 : i32
        %lt3A_497 = arith.cmpi slt, %select_n3A_490, %lt3A_496 : i32
        %ne3A_498 = arith.xori %lt3A_495, %lt3A_497 : i1
        %and3A_499 = arith.andi %ne3A_498, %ne3A_493 : i1
        %add3A_500 = arith.addi %rem3A_491, %select_n3A_490 : i32
        %select_n3A_501 = arith.select %and3A_499, %add3A_500, %rem3A_491 : i32
        %mul3A_502 = arith.constant 128 : i32
        %mul3A_503 = arith.muli %select_n3A_501, %mul3A_502 : i32
        %add3A_504 = arith.addi %mul3A_485, %mul3A_503 : i32
        %broadcast_in_dim3A_505 = vector.broadcast %add3A_438 : i32 to vector<16xi32>
        %gather3A_506 = tpu.vector_load_idx %arg6[%broadcast_in_dim3A_505] : memref<1024xi32, #tpu.memory_space<vmem>>[vector<16xi32>], vector<16xi32>,
        %add3A_507 = arith.constant 0 : i32
        %add3A_508 = arith.addi %add3A_504, %add3A_507 : i32
        %get3A_509 = arith.index_cast %add3A_508 : i32 to index
        %get3A_510 = tpu.vector_load %arg6[%get3A_509] {strides = array<i32>} : memref<1024xi32, #tpu.memory_space<vmem>>, vector<16xi32>,
        %sub3A_511 = arith.subi %get3A_510, %gather3A_506 : vector<16xi32>
        %sub3A_512 = arith.constant -32 : i32
        %sub3A_513 = vector.broadcast %sub3A_512 : i32 to vector<16xi32>
        %sub3A_514 = arith.subi %sub3A_511, %sub3A_513 : vector<16xi32>
        %jit3A_515 = arith.constant 0 : i32
        %jit3A_516 = arith.constant 64 : i32
        %max3A_517 = vector.broadcast %jit3A_515 : i32 to vector<16xi32>
        %max3A_518 = arith.maxsi %max3A_517, %sub3A_514 : vector<16xi32>
        %min3A_519 = vector.broadcast %jit3A_516 : i32 to vector<16xi32>
        %min3A_520 = arith.minsi %min3A_519, %max3A_518 : vector<16xi32>
        %swap3A_521 = arith.constant 1 : i32
        %swap3A_522 = arith.index_cast %swap3A_521 : i32 to index
        %swap3A_523 = arith.constant 0 : index
        %swap3A_524 = tpu.vector_load %arg7[%swap3A_522, %swap3A_523] {strides = array<i32>} : memref<2x128xi32, #tpu.memory_space<vmem>>, vector<16xi32>,
        tpu.vector_store %arg7[%swap3A_522, %swap3A_523], %min3A_520 {strides = array<i32>} : memref<2x128xi32, #tpu.memory_space<vmem>>, vector<16xi32>,
        %add3A_525 = arith.constant 16 : i32
        %add3A_526 = arith.addi %add3A_504, %add3A_525 : i32
        %get3A_527 = arith.index_cast %add3A_526 : i32 to index
        %get3A_528 = tpu.vector_load %arg6[%get3A_527] {strides = array<i32>} : memref<1024xi32, #tpu.memory_space<vmem>>, vector<16xi32>,
        %sub3A_529 = arith.subi %get3A_528, %gather3A_506 : vector<16xi32>
        %sub3A_530 = arith.constant -32 : i32
        %sub3A_531 = vector.broadcast %sub3A_530 : i32 to vector<16xi32>
        %sub3A_532 = arith.subi %sub3A_529, %sub3A_531 : vector<16xi32>
        %jit3A_533 = arith.constant 0 : i32
        %jit3A_534 = arith.constant 64 : i32
        %max3A_535 = vector.broadcast %jit3A_533 : i32 to vector<16xi32>
        %max3A_536 = arith.maxsi %max3A_535, %sub3A_532 : vector<16xi32>
        %min3A_537 = vector.broadcast %jit3A_534 : i32 to vector<16xi32>
        %min3A_538 = arith.minsi %min3A_537, %max3A_536 : vector<16xi32>
        %swap3A_539 = arith.constant 1 : i32
        %swap3A_540 = arith.index_cast %swap3A_539 : i32 to index
        %swap3A_541 = arith.constant 16 : index
        %swap3A_542 = tpu.vector_load %arg7[%swap3A_540, %swap3A_541] {strides = array<i32>} : memref<2x128xi32, #tpu.memory_space<vmem>>, vector<16xi32>,
        tpu.vector_store %arg7[%swap3A_540, %swap3A_541], %min3A_538 {strides = array<i32>} : memref<2x128xi32, #tpu.memory_space<vmem>>, vector<16xi32>,
        %add3A_543 = arith.constant 32 : i32
        %add3A_544 = arith.addi %add3A_504, %add3A_543 : i32
        %get3A_545 = arith.index_cast %add3A_544 : i32 to index
        %get3A_546 = tpu.vector_load %arg6[%get3A_545] {strides = array<i32>} : memref<1024xi32, #tpu.memory_space<vmem>>, vector<16xi32>,
        %sub3A_547 = arith.subi %get3A_546, %gather3A_506 : vector<16xi32>
        %sub3A_548 = arith.constant -32 : i32
        %sub3A_549 = vector.broadcast %sub3A_548 : i32 to vector<16xi32>
        %sub3A_550 = arith.subi %sub3A_547, %sub3A_549 : vector<16xi32>
        %jit3A_551 = arith.constant 0 : i32
        %jit3A_552 = arith.constant 64 : i32
        %max3A_553 = vector.broadcast %jit3A_551 : i32 to vector<16xi32>
        %max3A_554 = arith.maxsi %max3A_553, %sub3A_550 : vector<16xi32>
        %min3A_555 = vector.broadcast %jit3A_552 : i32 to vector<16xi32>
        %min3A_556 = arith.minsi %min3A_555, %max3A_554 : vector<16xi32>
        %swap3A_557 = arith.constant 1 : i32
        %swap3A_558 = arith.index_cast %swap3A_557 : i32 to index
        %swap3A_559 = arith.constant 32 : index
        %swap3A_560 = tpu.vector_load %arg7[%swap3A_558, %swap3A_559] {strides = array<i32>} : memref<2x128xi32, #tpu.memory_space<vmem>>, vector<16xi32>,
        tpu.vector_store %arg7[%swap3A_558, %swap3A_559], %min3A_556 {strides = array<i32>} : memref<2x128xi32, #tpu.memory_space<vmem>>, vector<16xi32>,
        %add3A_561 = arith.constant 48 : i32
        %add3A_562 = arith.addi %add3A_504, %add3A_561 : i32
        %get3A_563 = arith.index_cast %add3A_562 : i32 to index
        %get3A_564 = tpu.vector_load %arg6[%get3A_563] {strides = array<i32>} : memref<1024xi32, #tpu.memory_space<vmem>>, vector<16xi32>,
        %sub3A_565 = arith.subi %get3A_564, %gather3A_506 : vector<16xi32>
        %sub3A_566 = arith.constant -32 : i32
        %sub3A_567 = vector.broadcast %sub3A_566 : i32 to vector<16xi32>
        %sub3A_568 = arith.subi %sub3A_565, %sub3A_567 : vector<16xi32>
        %jit3A_569 = arith.constant 0 : i32
        %jit3A_570 = arith.constant 64 : i32
        %max3A_571 = vector.broadcast %jit3A_569 : i32 to vector<16xi32>
        %max3A_572 = arith.maxsi %max3A_571, %sub3A_568 : vector<16xi32>
        %min3A_573 = vector.broadcast %jit3A_570 : i32 to vector<16xi32>
        %min3A_574 = arith.minsi %min3A_573, %max3A_572 : vector<16xi32>
        %swap3A_575 = arith.constant 1 : i32
        %swap3A_576 = arith.index_cast %swap3A_575 : i32 to index
        %swap3A_577 = arith.constant 48 : index
        %swap3A_578 = tpu.vector_load %arg7[%swap3A_576, %swap3A_577] {strides = array<i32>} : memref<2x128xi32, #tpu.memory_space<vmem>>, vector<16xi32>,
        tpu.vector_store %arg7[%swap3A_576, %swap3A_577], %min3A_574 {strides = array<i32>} : memref<2x128xi32, #tpu.memory_space<vmem>>, vector<16xi32>,
        %add3A_579 = arith.constant 64 : i32
        %add3A_580 = arith.addi %add3A_504, %add3A_579 : i32
        %get3A_581 = arith.index_cast %add3A_580 : i32 to index
        %get3A_582 = tpu.vector_load %arg6[%get3A_581] {strides = array<i32>} : memref<1024xi32, #tpu.memory_space<vmem>>, vector<16xi32>,
        %sub3A_583 = arith.subi %get3A_582, %gather3A_506 : vector<16xi32>
        %sub3A_584 = arith.constant -32 : i32
        %sub3A_585 = vector.broadcast %sub3A_584 : i32 to vector<16xi32>
        %sub3A_586 = arith.subi %sub3A_583, %sub3A_585 : vector<16xi32>
        %jit3A_587 = arith.constant 0 : i32
        %jit3A_588 = arith.constant 64 : i32
        %max3A_589 = vector.broadcast %jit3A_587 : i32 to vector<16xi32>
        %max3A_590 = arith.maxsi %max3A_589, %sub3A_586 : vector<16xi32>
        %min3A_591 = vector.broadcast %jit3A_588 : i32 to vector<16xi32>
        %min3A_592 = arith.minsi %min3A_591, %max3A_590 : vector<16xi32>
        %swap3A_593 = arith.constant 1 : i32
        %swap3A_594 = arith.index_cast %swap3A_593 : i32 to index
        %swap3A_595 = arith.constant 64 : index
        %swap3A_596 = tpu.vector_load %arg7[%swap3A_594, %swap3A_595] {strides = array<i32>} : memref<2x128xi32, #tpu.memory_space<vmem>>, vector<16xi32>,
        tpu.vector_store %arg7[%swap3A_594, %swap3A_595], %min3A_592 {strides = array<i32>} : memref<2x128xi32, #tpu.memory_space<vmem>>, vector<16xi32>,
        %add3A_597 = arith.constant 80 : i32
        %add3A_598 = arith.addi %add3A_504, %add3A_597 : i32
        %get3A_599 = arith.index_cast %add3A_598 : i32 to index
        %get3A_600 = tpu.vector_load %arg6[%get3A_599] {strides = array<i32>} : memref<1024xi32, #tpu.memory_space<vmem>>, vector<16xi32>,
        %sub3A_601 = arith.subi %get3A_600, %gather3A_506 : vector<16xi32>
        %sub3A_602 = arith.constant -32 : i32
        %sub3A_603 = vector.broadcast %sub3A_602 : i32 to vector<16xi32>
        %sub3A_604 = arith.subi %sub3A_601, %sub3A_603 : vector<16xi32>
        %jit3A_605 = arith.constant 0 : i32
        %jit3A_606 = arith.constant 64 : i32
        %max3A_607 = vector.broadcast %jit3A_605 : i32 to vector<16xi32>
        %max3A_608 = arith.maxsi %max3A_607, %sub3A_604 : vector<16xi32>
        %min3A_609 = vector.broadcast %jit3A_606 : i32 to vector<16xi32>
        %min3A_610 = arith.minsi %min3A_609, %max3A_608 : vector<16xi32>
        %swap3A_611 = arith.constant 1 : i32
        %swap3A_612 = arith.index_cast %swap3A_611 : i32 to index
        %swap3A_613 = arith.constant 80 : index
        %swap3A_614 = tpu.vector_load %arg7[%swap3A_612, %swap3A_613] {strides = array<i32>} : memref<2x128xi32, #tpu.memory_space<vmem>>, vector<16xi32>,
        tpu.vector_store %arg7[%swap3A_612, %swap3A_613], %min3A_610 {strides = array<i32>} : memref<2x128xi32, #tpu.memory_space<vmem>>, vector<16xi32>,
        %add3A_615 = arith.constant 96 : i32
        %add3A_616 = arith.addi %add3A_504, %add3A_615 : i32
        %get3A_617 = arith.index_cast %add3A_616 : i32 to index
        %get3A_618 = tpu.vector_load %arg6[%get3A_617] {strides = array<i32>} : memref<1024xi32, #tpu.memory_space<vmem>>, vector<16xi32>,
        %sub3A_619 = arith.subi %get3A_618, %gather3A_506 : vector<16xi32>
        %sub3A_620 = arith.constant -32 : i32
        %sub3A_621 = vector.broadcast %sub3A_620 : i32 to vector<16xi32>
        %sub3A_622 = arith.subi %sub3A_619, %sub3A_621 : vector<16xi32>
        %jit3A_623 = arith.constant 0 : i32
        %jit3A_624 = arith.constant 64 : i32
        %max3A_625 = vector.broadcast %jit3A_623 : i32 to vector<16xi32>
        %max3A_626 = arith.maxsi %max3A_625, %sub3A_622 : vector<16xi32>
        %min3A_627 = vector.broadcast %jit3A_624 : i32 to vector<16xi32>
        %min3A_628 = arith.minsi %min3A_627, %max3A_626 : vector<16xi32>
        %swap3A_629 = arith.constant 1 : i32
        %swap3A_630 = arith.index_cast %swap3A_629 : i32 to index
        %swap3A_631 = arith.constant 96 : index
        %swap3A_632 = tpu.vector_load %arg7[%swap3A_630, %swap3A_631] {strides = array<i32>} : memref<2x128xi32, #tpu.memory_space<vmem>>, vector<16xi32>,
        tpu.vector_store %arg7[%swap3A_630, %swap3A_631], %min3A_628 {strides = array<i32>} : memref<2x128xi32, #tpu.memory_space<vmem>>, vector<16xi32>,
        %add3A_633 = arith.constant 112 : i32
        %add3A_634 = arith.addi %add3A_504, %add3A_633 : i32
        %get3A_635 = arith.index_cast %add3A_634 : i32 to index
        %get3A_636 = tpu.vector_load %arg6[%get3A_635] {strides = array<i32>} : memref<1024xi32, #tpu.memory_space<vmem>>, vector<16xi32>,
        %sub3A_637 = arith.subi %get3A_636, %gather3A_506 : vector<16xi32>
        %sub3A_638 = arith.constant -32 : i32
        %sub3A_639 = vector.broadcast %sub3A_638 : i32 to vector<16xi32>
        %sub3A_640 = arith.subi %sub3A_637, %sub3A_639 : vector<16xi32>
        %jit3A_641 = arith.constant 0 : i32
        %jit3A_642 = arith.constant 64 : i32
        %max3A_643 = vector.broadcast %jit3A_641 : i32 to vector<16xi32>
        %max3A_644 = arith.maxsi %max3A_643, %sub3A_640 : vector<16xi32>
        %min3A_645 = vector.broadcast %jit3A_642 : i32 to vector<16xi32>
        %min3A_646 = arith.minsi %min3A_645, %max3A_644 : vector<16xi32>
        %swap3A_647 = arith.constant 1 : i32
        %swap3A_648 = arith.index_cast %swap3A_647 : i32 to index
        %swap3A_649 = arith.constant 112 : index
        %swap3A_650 = tpu.vector_load %arg7[%swap3A_648, %swap3A_649] {strides = array<i32>} : memref<2x128xi32, #tpu.memory_space<vmem>>, vector<16xi32>,
        tpu.vector_store %arg7[%swap3A_648, %swap3A_649], %min3A_646 {strides = array<i32>} : memref<2x128xi32, #tpu.memory_space<vmem>>, vector<16xi32>,
        %dma_start3A_651 = arith.constant 1 : i32
        %dma_start3A_652 = arith.constant 1 : i32
        %dma_start3A_653 = arith.constant 0 : i32
        %dma_start3A_654 = arith.constant 0 : i32
        %dma_start3A_655 = tpu.memref_slice %arg8[%dma_start3A_651, %dma_start3A_653, %dma_start3A_654] : memref<2x128x128xf32, #tpu.memory_space<vmem>> -> memref<1x128x128xf32, #tpu.memory_space<vmem>>
        %dma_start3A_656 = tpu.memref_squeeze %dma_start3A_655 : memref<1x128x128xf32, #tpu.memory_space<vmem>> -> memref<128x128xf32, #tpu.memory_space<vmem>>
        %dma_start3A_657 = arith.constant 0 : i32
        %dma_start3A_658 = tpu.memref_slice %arg2[%add3A_459, %dma_start3A_657] : memref<524288x128xf32, #tpu.memory_space<hbm>> -> memref<128x128xf32, #tpu.memory_space<hbm>>
        %dma_start3A_659 = tpu.memref_slice %arg9[%dma_start3A_652] : memref<2x!tpu.dma_semaphore, #tpu.memory_space<semaphore_mem>> -> memref<1x!tpu.dma_semaphore, #tpu.memory_space<semaphore_mem>>
        %dma_start3A_660 = tpu.memref_squeeze %dma_start3A_659 : memref<1x!tpu.dma_semaphore, #tpu.memory_space<semaphore_mem>> -> memref<!tpu.dma_semaphore, #tpu.memory_space<semaphore_mem>>
        %dma_start3A_661 = arith.constant 0 : i32
        %dma_start3A_662 = arith.constant 0 : i32
        %dma_start3A_663 = tpu.memref_slice %arg8[%dma_start3A_651, %dma_start3A_661, %dma_start3A_662] : memref<2x128x128xf32, #tpu.memory_space<vmem>> -> memref<1x128x128xf32, #tpu.memory_space<vmem>>
        %dma_start3A_664 = tpu.memref_squeeze %dma_start3A_663 : memref<1x128x128xf32, #tpu.memory_space<vmem>> -> memref<128x128xf32, #tpu.memory_space<vmem>>
        %dma_start3A_665 = arith.constant 0 : i32
        %dma_start3A_666 = tpu.memref_slice %arg2[%add3A_459, %dma_start3A_665] : memref<524288x128xf32, #tpu.memory_space<hbm>> -> memref<128x128xf32, #tpu.memory_space<hbm>>
        tpu.enqueue_dma source(%dma_start3A_666 : memref<128x128xf32, #tpu.memory_space<hbm>>) target(%dma_start3A_664 : memref<128x128xf32, #tpu.memory_space<vmem>>) target_semaphore(%dma_start3A_660 : memref<!tpu.dma_semaphore, #tpu.memory_space<semaphore_mem>>)
      } else {
      }
      %mul3A_231 = arith.constant 32 : i32
      %mul3A_232 = arith.muli %add3A, %mul3A_231 : i32
      %jit3A_233 = arith.constant 4 : i32
      %div3A_234 = arith.divsi %add3A_220, %jit3A_233 : i32
      %sign3A_235 = arith.constant 0 : i32
      %sign3A_236 = arith.cmpi sgt, %add3A_220, %sign3A_235 : i32
      %sign3A_237 = arith.extui %sign3A_236 : i1 to i32
      %sign3A_238 = arith.constant 0 : i32
      %sign3A_239 = arith.cmpi slt, %add3A_220, %sign3A_238 : i32
      %sign3A_240 = arith.extui %sign3A_239 : i1 to i32
      %sign3A_241 = arith.subi %sign3A_237, %sign3A_240 : i32
      %sign3A_242 = arith.constant 0 : i32
      %sign3A_243 = arith.cmpi sgt, %jit3A_233, %sign3A_242 : i32
      %sign3A_244 = arith.extui %sign3A_243 : i1 to i32
      %sign3A_245 = arith.constant 0 : i32
      %sign3A_246 = arith.cmpi slt, %jit3A_233, %sign3A_245 : i32
      %sign3A_247 = arith.extui %sign3A_246 : i1 to i32
      %sign3A_248 = arith.subi %sign3A_244, %sign3A_247 : i32
      %ne3A_249 = arith.cmpi ne, %sign3A_241, %sign3A_248 : i32
      %rem3A_250 = arith.remsi %add3A_220, %jit3A_233 : i32
      %ne3A_251 = arith.constant 0 : i32
      %ne3A_252 = arith.cmpi ne, %rem3A_250, %ne3A_251 : i32
      %and3A_253 = arith.andi %ne3A_249, %ne3A_252 : i1
      %sub3A_254 = arith.constant 1 : i32
      %sub3A_255 = arith.subi %div3A_234, %sub3A_254 : i32
      %select_n3A_256 = arith.select %and3A_253, %sub3A_255, %div3A_234 : i32
      %add3A_257 = arith.addi %mul3A_232, %select_n3A_256 : i32
      %mul3A_258 = arith.constant 512 : i32
      %mul3A_259 = arith.muli %add3A_257, %mul3A_258 : i32
      %jit3A_260 = arith.constant 4 : i32
      %eq3A_261 = arith.constant 0 : i32
      %eq3A_262 = arith.cmpi eq, %jit3A_260, %eq3A_261 : i32
      %jit3A_263 = arith.constant 1 : i32
      %select_n3A_264 = arith.select %eq3A_262, %jit3A_263, %jit3A_260 : i32
      %rem3A_265 = arith.remsi %add3A_220, %select_n3A_264 : i32
      %ne3A_266 = arith.constant 0 : i32
      %ne3A_267 = arith.cmpi ne, %rem3A_265, %ne3A_266 : i32
      %lt3A_268 = arith.constant 0 : i32
      %lt3A_269 = arith.cmpi slt, %rem3A_265, %lt3A_268 : i32
      %lt3A_270 = arith.constant 0 : i32
      %lt3A_271 = arith.cmpi slt, %select_n3A_264, %lt3A_270 : i32
      %ne3A_272 = arith.xori %lt3A_269, %lt3A_271 : i1
      %and3A_273 = arith.andi %ne3A_272, %ne3A_267 : i1
      %add3A_274 = arith.addi %rem3A_265, %select_n3A_264 : i32
      %select_n3A_275 = arith.select %and3A_273, %add3A_274, %rem3A_265 : i32
      %mul3A_276 = arith.constant 128 : i32
      %mul3A_277 = arith.muli %select_n3A_275, %mul3A_276 : i32
      %add3A_278 = arith.addi %mul3A_259, %mul3A_277 : i32
      %dma_wait3A_279 = arith.constant 0 : i32
      %dma_wait3A_280 = arith.constant 0 : i32
      %dma_wait3A_281 = arith.constant 0 : i32
      %dma_wait3A_282 = arith.constant 0 : i32
      %dma_wait3A_283 = tpu.memref_slice %arg8[%dma_wait3A_279, %dma_wait3A_281, %dma_wait3A_282] : memref<2x128x128xf32, #tpu.memory_space<vmem>> -> memref<1x128x128xf32, #tpu.memory_space<vmem>>
      %dma_wait3A_284 = tpu.memref_squeeze %dma_wait3A_283 : memref<1x128x128xf32, #tpu.memory_space<vmem>> -> memref<128x128xf32, #tpu.memory_space<vmem>>
      %dma_wait3A_285 = arith.constant 0 : i32
      %dma_wait3A_286 = tpu.memref_slice %arg2[%add3A_278, %dma_wait3A_285] : memref<524288x128xf32, #tpu.memory_space<hbm>> -> memref<128x128xf32, #tpu.memory_space<hbm>>
      %dma_wait3A_287 = tpu.memref_slice %arg9[%dma_wait3A_280] : memref<2x!tpu.dma_semaphore, #tpu.memory_space<semaphore_mem>> -> memref<1x!tpu.dma_semaphore, #tpu.memory_space<semaphore_mem>>
      %dma_wait3A_288 = tpu.memref_squeeze %dma_wait3A_287 : memref<1x!tpu.dma_semaphore, #tpu.memory_space<semaphore_mem>> -> memref<!tpu.dma_semaphore, #tpu.memory_space<semaphore_mem>>
      %dma_wait3A_289 = arith.constant 0 : i32
      %dma_wait3A_290 = arith.constant 0 : i32
      %dma_wait3A_291 = tpu.memref_slice %arg8[%dma_wait3A_279, %dma_wait3A_289, %dma_wait3A_290] : memref<2x128x128xf32, #tpu.memory_space<vmem>> -> memref<1x128x128xf32, #tpu.memory_space<vmem>>
      %dma_wait3A_292 = tpu.memref_squeeze %dma_wait3A_291 : memref<1x128x128xf32, #tpu.memory_space<vmem>> -> memref<128x128xf32, #tpu.memory_space<vmem>>
      %dma_wait3A_293 = arith.constant 0 : i32
      %dma_wait3A_294 = tpu.memref_slice %arg2[%add3A_278, %dma_wait3A_293] : memref<524288x128xf32, #tpu.memory_space<hbm>> -> memref<128x128xf32, #tpu.memory_space<hbm>>
      tpu.wait_dma2 semaphore(%dma_wait3A_288 : memref<!tpu.dma_semaphore, #tpu.memory_space<semaphore_mem>>) src(%dma_wait3A_294 : memref<128x128xf32, #tpu.memory_space<hbm>>) dst(%dma_wait3A_292 : memref<128x128xf32, #tpu.memory_space<vmem>>)
      %run_scoped3A = arith.constant 0 : i32
      %run_scoped3A_295 = arith.constant 0 : i32
      "tpu.region"() ({
        %run_scoped3A_410 = tpu.sem_alloc : memref<!tpu.dma_semaphore, #tpu.memory_space<semaphore_mem>>
        %dma_start3A_411 = arith.constant 0 : i32
        %dma_start3A_412 = arith.constant 0 : i32
        %dma_start3A_413 = tpu.memref_slice %arg8[%run_scoped3A_295, %dma_start3A_411, %dma_start3A_412] : memref<2x128x128xf32, #tpu.memory_space<vmem>> -> memref<1x128x128xf32, #tpu.memory_space<vmem>>
        %dma_start3A_414 = tpu.memref_squeeze %dma_start3A_413 : memref<1x128x128xf32, #tpu.memory_space<vmem>> -> memref<128x128xf32, #tpu.memory_space<vmem>>
        %dma_start3A_415 = arith.constant 0 : i32
        %dma_start3A_416 = tpu.memref_slice %arg7[%run_scoped3A, %dma_start3A_415] : memref<2x128xi32, #tpu.memory_space<vmem>> -> memref<1x128xi32, #tpu.memory_space<vmem>>
        %dma_start3A_417 = tpu.memref_squeeze %dma_start3A_416 : memref<1x128xi32, #tpu.memory_space<vmem>> -> memref<128xi32, #tpu.memory_space<vmem>>
        %dma_start3A_418 = arith.constant 0 : i32
        %dma_start3A_419 = arith.constant 0 : i32
        %dma_start3A_420 = tpu.memref_slice %arg11[%dma_start3A_418, %dma_start3A_419] : memref<65x128xf32, #tpu.memory_space<vmem_shared>> -> memref<65x128xf32, #tpu.memory_space<vmem_shared>>
        tpu.enqueue_indirect_dma source(%dma_start3A_420 : memref<65x128xf32, #tpu.memory_space<vmem_shared>>) target(%dma_start3A_414 : memref<128x128xf32, #tpu.memory_space<vmem>>) offsets(%dma_start3A_417 : memref<128xi32, #tpu.memory_space<vmem>>) semaphore(%run_scoped3A_410 : memref<!tpu.dma_semaphore, #tpu.memory_space<semaphore_mem>>) {add = true}
        %dma_wait3A_421 = arith.constant 0 : i32
        %dma_wait3A_422 = arith.constant 0 : i32
        %dma_wait3A_423 = tpu.memref_slice %arg8[%run_scoped3A_295, %dma_wait3A_421, %dma_wait3A_422] : memref<2x128x128xf32, #tpu.memory_space<vmem>> -> memref<1x128x128xf32, #tpu.memory_space<vmem>>
        %dma_wait3A_424 = tpu.memref_squeeze %dma_wait3A_423 : memref<1x128x128xf32, #tpu.memory_space<vmem>> -> memref<128x128xf32, #tpu.memory_space<vmem>>
        %dma_wait3A_425 = arith.constant 0 : i32
        %dma_wait3A_426 = tpu.memref_slice %arg7[%run_scoped3A, %dma_wait3A_425] : memref<2x128xi32, #tpu.memory_space<vmem>> -> memref<1x128xi32, #tpu.memory_space<vmem>>
        %dma_wait3A_427 = tpu.memref_squeeze %dma_wait3A_426 : memref<1x128xi32, #tpu.memory_space<vmem>> -> memref<128xi32, #tpu.memory_space<vmem>>
        %dma_wait3A_428 = arith.constant 0 : i32
        %dma_wait3A_429 = arith.constant 0 : i32
        %dma_wait3A_430 = tpu.memref_slice %arg11[%dma_wait3A_428, %dma_wait3A_429] : memref<65x128xf32, #tpu.memory_space<vmem_shared>> -> memref<65x128xf32, #tpu.memory_space<vmem_shared>>
        tpu.wait_indirect_dma semaphore(%run_scoped3A_410 : memref<!tpu.dma_semaphore, #tpu.memory_space<semaphore_mem>>) src(%dma_wait3A_430 : memref<65x128xf32, #tpu.memory_space<vmem_shared>>) dst(%dma_wait3A_424 : memref<128x128xf32, #tpu.memory_space<vmem>>)
        tpu.yield
      }) : () -> ()
      %dma_start3A_296 = arith.constant 0 : i32
      %dma_start3A_297 = arith.constant 0 : i32
      %dma_start3A_298 = arith.constant 0 : i32
      %dma_start3A_299 = arith.constant 0 : i32
      %dma_start3A_300 = tpu.memref_slice %arg8[%dma_start3A_296, %dma_start3A_298, %dma_start3A_299] : memref<2x128x128xf32, #tpu.memory_space<vmem>> -> memref<1x128x128xf32, #tpu.memory_space<vmem>>
      %dma_start3A_301 = tpu.memref_squeeze %dma_start3A_300 : memref<1x128x128xf32, #tpu.memory_space<vmem>> -> memref<128x128xf32, #tpu.memory_space<vmem>>
      %dma_start3A_302 = arith.constant 0 : i32
      %dma_start3A_303 = tpu.memref_slice %arg5[%add3A_278, %dma_start3A_302] : memref<524288x128xf32, #tpu.memory_space<hbm>> -> memref<128x128xf32, #tpu.memory_space<hbm>>
      %dma_start3A_304 = tpu.memref_slice %arg10[%dma_start3A_297] : memref<2x!tpu.dma_semaphore, #tpu.memory_space<semaphore_mem>> -> memref<1x!tpu.dma_semaphore, #tpu.memory_space<semaphore_mem>>
      %dma_start3A_305 = tpu.memref_squeeze %dma_start3A_304 : memref<1x!tpu.dma_semaphore, #tpu.memory_space<semaphore_mem>> -> memref<!tpu.dma_semaphore, #tpu.memory_space<semaphore_mem>>
      %dma_start3A_306 = arith.constant 0 : i32
      %dma_start3A_307 = tpu.memref_slice %arg5[%add3A_278, %dma_start3A_306] : memref<524288x128xf32, #tpu.memory_space<hbm>> -> memref<128x128xf32, #tpu.memory_space<hbm>>
      %dma_start3A_308 = arith.constant 0 : i32
      %dma_start3A_309 = arith.constant 0 : i32
      %dma_start3A_310 = tpu.memref_slice %arg8[%dma_start3A_296, %dma_start3A_308, %dma_start3A_309] : memref<2x128x128xf32, #tpu.memory_space<vmem>> -> memref<1x128x128xf32, #tpu.memory_space<vmem>>
      %dma_start3A_311 = tpu.memref_squeeze %dma_start3A_310 : memref<1x128x128xf32, #tpu.memory_space<vmem>> -> memref<128x128xf32, #tpu.memory_space<vmem>>
      tpu.enqueue_dma source(%dma_start3A_311 : memref<128x128xf32, #tpu.memory_space<vmem>>) target(%dma_start3A_307 : memref<128x128xf32, #tpu.memory_space<hbm>>) target_semaphore(%dma_start3A_305 : memref<!tpu.dma_semaphore, #tpu.memory_space<semaphore_mem>>)
      %mul3A_312 = arith.constant 2 : i32
      %mul3A_313 = arith.muli %mul3A_312, %scan3A_215 : i32
      %add3A_314 = arith.constant 1 : i32
      %add3A_315 = arith.addi %mul3A_313, %add3A_314 : i32
      %ge3A_316 = arith.constant 1 : i32
      %ge3A_317 = arith.cmpi sge, %add3A_315, %ge3A_316 : i32
      %convert_element_type3A_318 = arith.extui %ge3A_317 : i1 to i32
      %cond3A_319 = arith.constant 0 : i32
      %cond3A_320 = arith.cmpi ne, %convert_element_type3A_318, %cond3A_319 : i32
      scf.if %cond3A_320 {
        %sub3A_410 = arith.constant 1 : i32
        %sub3A_411 = arith.subi %add3A_315, %sub3A_410 : i32
        %mul3A_412 = arith.constant 32 : i32
        %mul3A_413 = arith.muli %add3A, %mul3A_412 : i32
        %jit3A_414 = arith.constant 4 : i32
        %div3A_415 = arith.divsi %sub3A_411, %jit3A_414 : i32
        %sign3A_416 = arith.constant 0 : i32
        %sign3A_417 = arith.cmpi sgt, %sub3A_411, %sign3A_416 : i32
        %sign3A_418 = arith.extui %sign3A_417 : i1 to i32
        %sign3A_419 = arith.constant 0 : i32
        %sign3A_420 = arith.cmpi slt, %sub3A_411, %sign3A_419 : i32
        %sign3A_421 = arith.extui %sign3A_420 : i1 to i32
        %sign3A_422 = arith.subi %sign3A_418, %sign3A_421 : i32
        %sign3A_423 = arith.constant 0 : i32
        %sign3A_424 = arith.cmpi sgt, %jit3A_414, %sign3A_423 : i32
        %sign3A_425 = arith.extui %sign3A_424 : i1 to i32
        %sign3A_426 = arith.constant 0 : i32
        %sign3A_427 = arith.cmpi slt, %jit3A_414, %sign3A_426 : i32
        %sign3A_428 = arith.extui %sign3A_427 : i1 to i32
        %sign3A_429 = arith.subi %sign3A_425, %sign3A_428 : i32
        %ne3A_430 = arith.cmpi ne, %sign3A_422, %sign3A_429 : i32
        %rem3A_431 = arith.remsi %sub3A_411, %jit3A_414 : i32
        %ne3A_432 = arith.constant 0 : i32
        %ne3A_433 = arith.cmpi ne, %rem3A_431, %ne3A_432 : i32
        %and3A_434 = arith.andi %ne3A_430, %ne3A_433 : i1
        %sub3A_435 = arith.constant 1 : i32
        %sub3A_436 = arith.subi %div3A_415, %sub3A_435 : i32
        %select_n3A_437 = arith.select %and3A_434, %sub3A_436, %div3A_415 : i32
        %add3A_438 = arith.addi %mul3A_413, %select_n3A_437 : i32
        %mul3A_439 = arith.constant 512 : i32
        %mul3A_440 = arith.muli %add3A_438, %mul3A_439 : i32
        %jit3A_441 = arith.constant 4 : i32
        %eq3A_442 = arith.constant 0 : i32
        %eq3A_443 = arith.cmpi eq, %jit3A_441, %eq3A_442 : i32
        %jit3A_444 = arith.constant 1 : i32
        %select_n3A_445 = arith.select %eq3A_443, %jit3A_444, %jit3A_441 : i32
        %rem3A_446 = arith.remsi %sub3A_411, %select_n3A_445 : i32
        %ne3A_447 = arith.constant 0 : i32
        %ne3A_448 = arith.cmpi ne, %rem3A_446, %ne3A_447 : i32
        %lt3A_449 = arith.constant 0 : i32
        %lt3A_450 = arith.cmpi slt, %rem3A_446, %lt3A_449 : i32
        %lt3A_451 = arith.constant 0 : i32
        %lt3A_452 = arith.cmpi slt, %select_n3A_445, %lt3A_451 : i32
        %ne3A_453 = arith.xori %lt3A_450, %lt3A_452 : i1
        %and3A_454 = arith.andi %ne3A_453, %ne3A_448 : i1
        %add3A_455 = arith.addi %rem3A_446, %select_n3A_445 : i32
        %select_n3A_456 = arith.select %and3A_454, %add3A_455, %rem3A_446 : i32
        %mul3A_457 = arith.constant 128 : i32
        %mul3A_458 = arith.muli %select_n3A_456, %mul3A_457 : i32
        %add3A_459 = arith.addi %mul3A_440, %mul3A_458 : i32
        %dma_wait3A_460 = arith.constant 0 : i32
        %dma_wait3A_461 = arith.constant 0 : i32
        %dma_wait3A_462 = arith.constant 0 : i32
        %dma_wait3A_463 = arith.constant 0 : i32
        %dma_wait3A_464 = tpu.memref_slice %arg8[%dma_wait3A_460, %dma_wait3A_462, %dma_wait3A_463] : memref<2x128x128xf32, #tpu.memory_space<vmem>> -> memref<1x128x128xf32, #tpu.memory_space<vmem>>
        %dma_wait3A_465 = tpu.memref_squeeze %dma_wait3A_464 : memref<1x128x128xf32, #tpu.memory_space<vmem>> -> memref<128x128xf32, #tpu.memory_space<vmem>>
        %dma_wait3A_466 = arith.constant 0 : i32
        %dma_wait3A_467 = tpu.memref_slice %arg5[%add3A_459, %dma_wait3A_466] : memref<524288x128xf32, #tpu.memory_space<hbm>> -> memref<128x128xf32, #tpu.memory_space<hbm>>
        %dma_wait3A_468 = tpu.memref_slice %arg10[%dma_wait3A_461] : memref<2x!tpu.dma_semaphore, #tpu.memory_space<semaphore_mem>> -> memref<1x!tpu.dma_semaphore, #tpu.memory_space<semaphore_mem>>
        %dma_wait3A_469 = tpu.memref_squeeze %dma_wait3A_468 : memref<1x!tpu.dma_semaphore, #tpu.memory_space<semaphore_mem>> -> memref<!tpu.dma_semaphore, #tpu.memory_space<semaphore_mem>>
        %dma_wait3A_470 = arith.constant 0 : i32
        %dma_wait3A_471 = tpu.memref_slice %arg5[%add3A_459, %dma_wait3A_470] : memref<524288x128xf32, #tpu.memory_space<hbm>> -> memref<128x128xf32, #tpu.memory_space<hbm>>
        %dma_wait3A_472 = arith.constant 0 : i32
        %dma_wait3A_473 = arith.constant 0 : i32
        %dma_wait3A_474 = tpu.memref_slice %arg8[%dma_wait3A_460, %dma_wait3A_472, %dma_wait3A_473] : memref<2x128x128xf32, #tpu.memory_space<vmem>> -> memref<1x128x128xf32, #tpu.memory_space<vmem>>
        %dma_wait3A_475 = tpu.memref_squeeze %dma_wait3A_474 : memref<1x128x128xf32, #tpu.memory_space<vmem>> -> memref<128x128xf32, #tpu.memory_space<vmem>>
        tpu.wait_dma2 semaphore(%dma_wait3A_469 : memref<!tpu.dma_semaphore, #tpu.memory_space<semaphore_mem>>) src(%dma_wait3A_475 : memref<128x128xf32, #tpu.memory_space<vmem>>) dst(%dma_wait3A_471 : memref<128x128xf32, #tpu.memory_space<hbm>>)
      } else {
      }
      %add3A_321 = arith.constant 1 : i32
      %add3A_322 = arith.addi %add3A_315, %add3A_321 : i32
      %lt3A_323 = arith.constant 128 : i32
      %lt3A_324 = arith.cmpi slt, %add3A_322, %lt3A_323 : i32
      %convert_element_type3A_325 = arith.extui %lt3A_324 : i1 to i32
      %cond3A_326 = arith.constant 0 : i32
      %cond3A_327 = arith.cmpi ne, %convert_element_type3A_325, %cond3A_326 : i32
      scf.if %cond3A_327 {
        %add3A_410 = arith.constant 1 : i32
        %add3A_411 = arith.addi %add3A_315, %add3A_410 : i32
        %mul3A_412 = arith.constant 32 : i32
        %mul3A_413 = arith.muli %add3A, %mul3A_412 : i32
        %jit3A_414 = arith.constant 4 : i32
        %div3A_415 = arith.divsi %add3A_411, %jit3A_414 : i32
        %sign3A_416 = arith.constant 0 : i32
        %sign3A_417 = arith.cmpi sgt, %add3A_411, %sign3A_416 : i32
        %sign3A_418 = arith.extui %sign3A_417 : i1 to i32
        %sign3A_419 = arith.constant 0 : i32
        %sign3A_420 = arith.cmpi slt, %add3A_411, %sign3A_419 : i32
        %sign3A_421 = arith.extui %sign3A_420 : i1 to i32
        %sign3A_422 = arith.subi %sign3A_418, %sign3A_421 : i32
        %sign3A_423 = arith.constant 0 : i32
        %sign3A_424 = arith.cmpi sgt, %jit3A_414, %sign3A_423 : i32
        %sign3A_425 = arith.extui %sign3A_424 : i1 to i32
        %sign3A_426 = arith.constant 0 : i32
        %sign3A_427 = arith.cmpi slt, %jit3A_414, %sign3A_426 : i32
        %sign3A_428 = arith.extui %sign3A_427 : i1 to i32
        %sign3A_429 = arith.subi %sign3A_425, %sign3A_428 : i32
        %ne3A_430 = arith.cmpi ne, %sign3A_422, %sign3A_429 : i32
        %rem3A_431 = arith.remsi %add3A_411, %jit3A_414 : i32
        %ne3A_432 = arith.constant 0 : i32
        %ne3A_433 = arith.cmpi ne, %rem3A_431, %ne3A_432 : i32
        %and3A_434 = arith.andi %ne3A_430, %ne3A_433 : i1
        %sub3A_435 = arith.constant 1 : i32
        %sub3A_436 = arith.subi %div3A_415, %sub3A_435 : i32
        %select_n3A_437 = arith.select %and3A_434, %sub3A_436, %div3A_415 : i32
        %add3A_438 = arith.addi %mul3A_413, %select_n3A_437 : i32
        %mul3A_439 = arith.constant 512 : i32
        %mul3A_440 = arith.muli %add3A_438, %mul3A_439 : i32
        %jit3A_441 = arith.constant 4 : i32
        %eq3A_442 = arith.constant 0 : i32
        %eq3A_443 = arith.cmpi eq, %jit3A_441, %eq3A_442 : i32
        %jit3A_444 = arith.constant 1 : i32
        %select_n3A_445 = arith.select %eq3A_443, %jit3A_444, %jit3A_441 : i32
        %rem3A_446 = arith.remsi %add3A_411, %select_n3A_445 : i32
        %ne3A_447 = arith.constant 0 : i32
        %ne3A_448 = arith.cmpi ne, %rem3A_446, %ne3A_447 : i32
        %lt3A_449 = arith.constant 0 : i32
        %lt3A_450 = arith.cmpi slt, %rem3A_446, %lt3A_449 : i32
        %lt3A_451 = arith.constant 0 : i32
        %lt3A_452 = arith.cmpi slt, %select_n3A_445, %lt3A_451 : i32
        %ne3A_453 = arith.xori %lt3A_450, %lt3A_452 : i1
        %and3A_454 = arith.andi %ne3A_453, %ne3A_448 : i1
        %add3A_455 = arith.addi %rem3A_446, %select_n3A_445 : i32
        %select_n3A_456 = arith.select %and3A_454, %add3A_455, %rem3A_446 : i32
        %mul3A_457 = arith.constant 128 : i32
        %mul3A_458 = arith.muli %select_n3A_456, %mul3A_457 : i32
        %add3A_459 = arith.addi %mul3A_440, %mul3A_458 : i32
        %jit3A_460 = arith.constant 512 : i32
        %div3A_461 = arith.divsi %add3A_438, %jit3A_460 : i32
        %sign3A_462 = arith.constant 0 : i32
        %sign3A_463 = arith.cmpi sgt, %add3A_438, %sign3A_462 : i32
        %sign3A_464 = arith.extui %sign3A_463 : i1 to i32
        %sign3A_465 = arith.constant 0 : i32
        %sign3A_466 = arith.cmpi slt, %add3A_438, %sign3A_465 : i32
        %sign3A_467 = arith.extui %sign3A_466 : i1 to i32
        %sign3A_468 = arith.subi %sign3A_464, %sign3A_467 : i32
        %sign3A_469 = arith.constant 0 : i32
        %sign3A_470 = arith.cmpi sgt, %jit3A_460, %sign3A_469 : i32
        %sign3A_471 = arith.extui %sign3A_470 : i1 to i32
        %sign3A_472 = arith.constant 0 : i32
        %sign3A_473 = arith.cmpi slt, %jit3A_460, %sign3A_472 : i32
        %sign3A_474 = arith.extui %sign3A_473 : i1 to i32
        %sign3A_475 = arith.subi %sign3A_471, %sign3A_474 : i32
        %ne3A_476 = arith.cmpi ne, %sign3A_468, %sign3A_475 : i32
        %rem3A_477 = arith.remsi %add3A_438, %jit3A_460 : i32
        %ne3A_478 = arith.constant 0 : i32
        %ne3A_479 = arith.cmpi ne, %rem3A_477, %ne3A_478 : i32
        %and3A_480 = arith.andi %ne3A_476, %ne3A_479 : i1
        %sub3A_481 = arith.constant 1 : i32
        %sub3A_482 = arith.subi %div3A_461, %sub3A_481 : i32
        %select_n3A_483 = arith.select %and3A_480, %sub3A_482, %div3A_461 : i32
        %mul3A_484 = arith.constant 512 : i32
        %mul3A_485 = arith.muli %select_n3A_483, %mul3A_484 : i32
        %jit3A_486 = arith.constant 4 : i32
        %eq3A_487 = arith.constant 0 : i32
        %eq3A_488 = arith.cmpi eq, %jit3A_486, %eq3A_487 : i32
        %jit3A_489 = arith.constant 1 : i32
        %select_n3A_490 = arith.select %eq3A_488, %jit3A_489, %jit3A_486 : i32
        %rem3A_491 = arith.remsi %add3A_411, %select_n3A_490 : i32
        %ne3A_492 = arith.constant 0 : i32
        %ne3A_493 = arith.cmpi ne, %rem3A_491, %ne3A_492 : i32
        %lt3A_494 = arith.constant 0 : i32
        %lt3A_495 = arith.cmpi slt, %rem3A_491, %lt3A_494 : i32
        %lt3A_496 = arith.constant 0 : i32
        %lt3A_497 = arith.cmpi slt, %select_n3A_490, %lt3A_496 : i32
        %ne3A_498 = arith.xori %lt3A_495, %lt3A_497 : i1
        %and3A_499 = arith.andi %ne3A_498, %ne3A_493 : i1
        %add3A_500 = arith.addi %rem3A_491, %select_n3A_490 : i32
        %select_n3A_501 = arith.select %and3A_499, %add3A_500, %rem3A_491 : i32
        %mul3A_502 = arith.constant 128 : i32
        %mul3A_503 = arith.muli %select_n3A_501, %mul3A_502 : i32
        %add3A_504 = arith.addi %mul3A_485, %mul3A_503 : i32
        %broadcast_in_dim3A_505 = vector.broadcast %add3A_438 : i32 to vector<16xi32>
        %gather3A_506 = tpu.vector_load_idx %arg6[%broadcast_in_dim3A_505] : memref<1024xi32, #tpu.memory_space<vmem>>[vector<16xi32>], vector<16xi32>,
        %add3A_507 = arith.constant 0 : i32
        %add3A_508 = arith.addi %add3A_504, %add3A_507 : i32
        %get3A_509 = arith.index_cast %add3A_508 : i32 to index
        %get3A_510 = tpu.vector_load %arg6[%get3A_509] {strides = array<i32>} : memref<1024xi32, #tpu.memory_space<vmem>>, vector<16xi32>,
        %sub3A_511 = arith.subi %get3A_510, %gather3A_506 : vector<16xi32>
        %sub3A_512 = arith.constant -32 : i32
        %sub3A_513 = vector.broadcast %sub3A_512 : i32 to vector<16xi32>
        %sub3A_514 = arith.subi %sub3A_511, %sub3A_513 : vector<16xi32>
        %jit3A_515 = arith.constant 0 : i32
        %jit3A_516 = arith.constant 64 : i32
        %max3A_517 = vector.broadcast %jit3A_515 : i32 to vector<16xi32>
        %max3A_518 = arith.maxsi %max3A_517, %sub3A_514 : vector<16xi32>
        %min3A_519 = vector.broadcast %jit3A_516 : i32 to vector<16xi32>
        %min3A_520 = arith.minsi %min3A_519, %max3A_518 : vector<16xi32>
        %swap3A_521 = arith.constant 0 : i32
        %swap3A_522 = arith.index_cast %swap3A_521 : i32 to index
        %swap3A_523 = arith.constant 0 : index
        %swap3A_524 = tpu.vector_load %arg7[%swap3A_522, %swap3A_523] {strides = array<i32>} : memref<2x128xi32, #tpu.memory_space<vmem>>, vector<16xi32>,
        tpu.vector_store %arg7[%swap3A_522, %swap3A_523], %min3A_520 {strides = array<i32>} : memref<2x128xi32, #tpu.memory_space<vmem>>, vector<16xi32>,
        %add3A_525 = arith.constant 16 : i32
        %add3A_526 = arith.addi %add3A_504, %add3A_525 : i32
        %get3A_527 = arith.index_cast %add3A_526 : i32 to index
        %get3A_528 = tpu.vector_load %arg6[%get3A_527] {strides = array<i32>} : memref<1024xi32, #tpu.memory_space<vmem>>, vector<16xi32>,
        %sub3A_529 = arith.subi %get3A_528, %gather3A_506 : vector<16xi32>
        %sub3A_530 = arith.constant -32 : i32
        %sub3A_531 = vector.broadcast %sub3A_530 : i32 to vector<16xi32>
        %sub3A_532 = arith.subi %sub3A_529, %sub3A_531 : vector<16xi32>
        %jit3A_533 = arith.constant 0 : i32
        %jit3A_534 = arith.constant 64 : i32
        %max3A_535 = vector.broadcast %jit3A_533 : i32 to vector<16xi32>
        %max3A_536 = arith.maxsi %max3A_535, %sub3A_532 : vector<16xi32>
        %min3A_537 = vector.broadcast %jit3A_534 : i32 to vector<16xi32>
        %min3A_538 = arith.minsi %min3A_537, %max3A_536 : vector<16xi32>
        %swap3A_539 = arith.constant 0 : i32
        %swap3A_540 = arith.index_cast %swap3A_539 : i32 to index
        %swap3A_541 = arith.constant 16 : index
        %swap3A_542 = tpu.vector_load %arg7[%swap3A_540, %swap3A_541] {strides = array<i32>} : memref<2x128xi32, #tpu.memory_space<vmem>>, vector<16xi32>,
        tpu.vector_store %arg7[%swap3A_540, %swap3A_541], %min3A_538 {strides = array<i32>} : memref<2x128xi32, #tpu.memory_space<vmem>>, vector<16xi32>,
        %add3A_543 = arith.constant 32 : i32
        %add3A_544 = arith.addi %add3A_504, %add3A_543 : i32
        %get3A_545 = arith.index_cast %add3A_544 : i32 to index
        %get3A_546 = tpu.vector_load %arg6[%get3A_545] {strides = array<i32>} : memref<1024xi32, #tpu.memory_space<vmem>>, vector<16xi32>,
        %sub3A_547 = arith.subi %get3A_546, %gather3A_506 : vector<16xi32>
        %sub3A_548 = arith.constant -32 : i32
        %sub3A_549 = vector.broadcast %sub3A_548 : i32 to vector<16xi32>
        %sub3A_550 = arith.subi %sub3A_547, %sub3A_549 : vector<16xi32>
        %jit3A_551 = arith.constant 0 : i32
        %jit3A_552 = arith.constant 64 : i32
        %max3A_553 = vector.broadcast %jit3A_551 : i32 to vector<16xi32>
        %max3A_554 = arith.maxsi %max3A_553, %sub3A_550 : vector<16xi32>
        %min3A_555 = vector.broadcast %jit3A_552 : i32 to vector<16xi32>
        %min3A_556 = arith.minsi %min3A_555, %max3A_554 : vector<16xi32>
        %swap3A_557 = arith.constant 0 : i32
        %swap3A_558 = arith.index_cast %swap3A_557 : i32 to index
        %swap3A_559 = arith.constant 32 : index
        %swap3A_560 = tpu.vector_load %arg7[%swap3A_558, %swap3A_559] {strides = array<i32>} : memref<2x128xi32, #tpu.memory_space<vmem>>, vector<16xi32>,
        tpu.vector_store %arg7[%swap3A_558, %swap3A_559], %min3A_556 {strides = array<i32>} : memref<2x128xi32, #tpu.memory_space<vmem>>, vector<16xi32>,
        %add3A_561 = arith.constant 48 : i32
        %add3A_562 = arith.addi %add3A_504, %add3A_561 : i32
        %get3A_563 = arith.index_cast %add3A_562 : i32 to index
        %get3A_564 = tpu.vector_load %arg6[%get3A_563] {strides = array<i32>} : memref<1024xi32, #tpu.memory_space<vmem>>, vector<16xi32>,
        %sub3A_565 = arith.subi %get3A_564, %gather3A_506 : vector<16xi32>
        %sub3A_566 = arith.constant -32 : i32
        %sub3A_567 = vector.broadcast %sub3A_566 : i32 to vector<16xi32>
        %sub3A_568 = arith.subi %sub3A_565, %sub3A_567 : vector<16xi32>
        %jit3A_569 = arith.constant 0 : i32
        %jit3A_570 = arith.constant 64 : i32
        %max3A_571 = vector.broadcast %jit3A_569 : i32 to vector<16xi32>
        %max3A_572 = arith.maxsi %max3A_571, %sub3A_568 : vector<16xi32>
        %min3A_573 = vector.broadcast %jit3A_570 : i32 to vector<16xi32>
        %min3A_574 = arith.minsi %min3A_573, %max3A_572 : vector<16xi32>
        %swap3A_575 = arith.constant 0 : i32
        %swap3A_576 = arith.index_cast %swap3A_575 : i32 to index
        %swap3A_577 = arith.constant 48 : index
        %swap3A_578 = tpu.vector_load %arg7[%swap3A_576, %swap3A_577] {strides = array<i32>} : memref<2x128xi32, #tpu.memory_space<vmem>>, vector<16xi32>,
        tpu.vector_store %arg7[%swap3A_576, %swap3A_577], %min3A_574 {strides = array<i32>} : memref<2x128xi32, #tpu.memory_space<vmem>>, vector<16xi32>,
        %add3A_579 = arith.constant 64 : i32
        %add3A_580 = arith.addi %add3A_504, %add3A_579 : i32
        %get3A_581 = arith.index_cast %add3A_580 : i32 to index
        %get3A_582 = tpu.vector_load %arg6[%get3A_581] {strides = array<i32>} : memref<1024xi32, #tpu.memory_space<vmem>>, vector<16xi32>,
        %sub3A_583 = arith.subi %get3A_582, %gather3A_506 : vector<16xi32>
        %sub3A_584 = arith.constant -32 : i32
        %sub3A_585 = vector.broadcast %sub3A_584 : i32 to vector<16xi32>
        %sub3A_586 = arith.subi %sub3A_583, %sub3A_585 : vector<16xi32>
        %jit3A_587 = arith.constant 0 : i32
        %jit3A_588 = arith.constant 64 : i32
        %max3A_589 = vector.broadcast %jit3A_587 : i32 to vector<16xi32>
        %max3A_590 = arith.maxsi %max3A_589, %sub3A_586 : vector<16xi32>
        %min3A_591 = vector.broadcast %jit3A_588 : i32 to vector<16xi32>
        %min3A_592 = arith.minsi %min3A_591, %max3A_590 : vector<16xi32>
        %swap3A_593 = arith.constant 0 : i32
        %swap3A_594 = arith.index_cast %swap3A_593 : i32 to index
        %swap3A_595 = arith.constant 64 : index
        %swap3A_596 = tpu.vector_load %arg7[%swap3A_594, %swap3A_595] {strides = array<i32>} : memref<2x128xi32, #tpu.memory_space<vmem>>, vector<16xi32>,
        tpu.vector_store %arg7[%swap3A_594, %swap3A_595], %min3A_592 {strides = array<i32>} : memref<2x128xi32, #tpu.memory_space<vmem>>, vector<16xi32>,
        %add3A_597 = arith.constant 80 : i32
        %add3A_598 = arith.addi %add3A_504, %add3A_597 : i32
        %get3A_599 = arith.index_cast %add3A_598 : i32 to index
        %get3A_600 = tpu.vector_load %arg6[%get3A_599] {strides = array<i32>} : memref<1024xi32, #tpu.memory_space<vmem>>, vector<16xi32>,
        %sub3A_601 = arith.subi %get3A_600, %gather3A_506 : vector<16xi32>
        %sub3A_602 = arith.constant -32 : i32
        %sub3A_603 = vector.broadcast %sub3A_602 : i32 to vector<16xi32>
        %sub3A_604 = arith.subi %sub3A_601, %sub3A_603 : vector<16xi32>
        %jit3A_605 = arith.constant 0 : i32
        %jit3A_606 = arith.constant 64 : i32
        %max3A_607 = vector.broadcast %jit3A_605 : i32 to vector<16xi32>
        %max3A_608 = arith.maxsi %max3A_607, %sub3A_604 : vector<16xi32>
        %min3A_609 = vector.broadcast %jit3A_606 : i32 to vector<16xi32>
        %min3A_610 = arith.minsi %min3A_609, %max3A_608 : vector<16xi32>
        %swap3A_611 = arith.constant 0 : i32
        %swap3A_612 = arith.index_cast %swap3A_611 : i32 to index
        %swap3A_613 = arith.constant 80 : index
        %swap3A_614 = tpu.vector_load %arg7[%swap3A_612, %swap3A_613] {strides = array<i32>} : memref<2x128xi32, #tpu.memory_space<vmem>>, vector<16xi32>,
        tpu.vector_store %arg7[%swap3A_612, %swap3A_613], %min3A_610 {strides = array<i32>} : memref<2x128xi32, #tpu.memory_space<vmem>>, vector<16xi32>,
        %add3A_615 = arith.constant 96 : i32
        %add3A_616 = arith.addi %add3A_504, %add3A_615 : i32
        %get3A_617 = arith.index_cast %add3A_616 : i32 to index
        %get3A_618 = tpu.vector_load %arg6[%get3A_617] {strides = array<i32>} : memref<1024xi32, #tpu.memory_space<vmem>>, vector<16xi32>,
        %sub3A_619 = arith.subi %get3A_618, %gather3A_506 : vector<16xi32>
        %sub3A_620 = arith.constant -32 : i32
        %sub3A_621 = vector.broadcast %sub3A_620 : i32 to vector<16xi32>
        %sub3A_622 = arith.subi %sub3A_619, %sub3A_621 : vector<16xi32>
        %jit3A_623 = arith.constant 0 : i32
        %jit3A_624 = arith.constant 64 : i32
        %max3A_625 = vector.broadcast %jit3A_623 : i32 to vector<16xi32>
        %max3A_626 = arith.maxsi %max3A_625, %sub3A_622 : vector<16xi32>
        %min3A_627 = vector.broadcast %jit3A_624 : i32 to vector<16xi32>
        %min3A_628 = arith.minsi %min3A_627, %max3A_626 : vector<16xi32>
        %swap3A_629 = arith.constant 0 : i32
        %swap3A_630 = arith.index_cast %swap3A_629 : i32 to index
        %swap3A_631 = arith.constant 96 : index
        %swap3A_632 = tpu.vector_load %arg7[%swap3A_630, %swap3A_631] {strides = array<i32>} : memref<2x128xi32, #tpu.memory_space<vmem>>, vector<16xi32>,
        tpu.vector_store %arg7[%swap3A_630, %swap3A_631], %min3A_628 {strides = array<i32>} : memref<2x128xi32, #tpu.memory_space<vmem>>, vector<16xi32>,
        %add3A_633 = arith.constant 112 : i32
        %add3A_634 = arith.addi %add3A_504, %add3A_633 : i32
        %get3A_635 = arith.index_cast %add3A_634 : i32 to index
        %get3A_636 = tpu.vector_load %arg6[%get3A_635] {strides = array<i32>} : memref<1024xi32, #tpu.memory_space<vmem>>, vector<16xi32>,
        %sub3A_637 = arith.subi %get3A_636, %gather3A_506 : vector<16xi32>
        %sub3A_638 = arith.constant -32 : i32
        %sub3A_639 = vector.broadcast %sub3A_638 : i32 to vector<16xi32>
        %sub3A_640 = arith.subi %sub3A_637, %sub3A_639 : vector<16xi32>
        %jit3A_641 = arith.constant 0 : i32
        %jit3A_642 = arith.constant 64 : i32
        %max3A_643 = vector.broadcast %jit3A_641 : i32 to vector<16xi32>
        %max3A_644 = arith.maxsi %max3A_643, %sub3A_640 : vector<16xi32>
        %min3A_645 = vector.broadcast %jit3A_642 : i32 to vector<16xi32>
        %min3A_646 = arith.minsi %min3A_645, %max3A_644 : vector<16xi32>
        %swap3A_647 = arith.constant 0 : i32
        %swap3A_648 = arith.index_cast %swap3A_647 : i32 to index
        %swap3A_649 = arith.constant 112 : index
        %swap3A_650 = tpu.vector_load %arg7[%swap3A_648, %swap3A_649] {strides = array<i32>} : memref<2x128xi32, #tpu.memory_space<vmem>>, vector<16xi32>,
        tpu.vector_store %arg7[%swap3A_648, %swap3A_649], %min3A_646 {strides = array<i32>} : memref<2x128xi32, #tpu.memory_space<vmem>>, vector<16xi32>,
        %dma_start3A_651 = arith.constant 0 : i32
        %dma_start3A_652 = arith.constant 0 : i32
        %dma_start3A_653 = arith.constant 0 : i32
        %dma_start3A_654 = arith.constant 0 : i32
        %dma_start3A_655 = tpu.memref_slice %arg8[%dma_start3A_651, %dma_start3A_653, %dma_start3A_654] : memref<2x128x128xf32, #tpu.memory_space<vmem>> -> memref<1x128x128xf32, #tpu.memory_space<vmem>>
        %dma_start3A_656 = tpu.memref_squeeze %dma_start3A_655 : memref<1x128x128xf32, #tpu.memory_space<vmem>> -> memref<128x128xf32, #tpu.memory_space<vmem>>
        %dma_start3A_657 = arith.constant 0 : i32
        %dma_start3A_658 = tpu.memref_slice %arg2[%add3A_459, %dma_start3A_657] : memref<524288x128xf32, #tpu.memory_space<hbm>> -> memref<128x128xf32, #tpu.memory_space<hbm>>
        %dma_start3A_659 = tpu.memref_slice %arg9[%dma_start3A_652] : memref<2x!tpu.dma_semaphore, #tpu.memory_space<semaphore_mem>> -> memref<1x!tpu.dma_semaphore, #tpu.memory_space<semaphore_mem>>
        %dma_start3A_660 = tpu.memref_squeeze %dma_start3A_659 : memref<1x!tpu.dma_semaphore, #tpu.memory_space<semaphore_mem>> -> memref<!tpu.dma_semaphore, #tpu.memory_space<semaphore_mem>>
        %dma_start3A_661 = arith.constant 0 : i32
        %dma_start3A_662 = arith.constant 0 : i32
        %dma_start3A_663 = tpu.memref_slice %arg8[%dma_start3A_651, %dma_start3A_661, %dma_start3A_662] : memref<2x128x128xf32, #tpu.memory_space<vmem>> -> memref<1x128x128xf32, #tpu.memory_space<vmem>>
        %dma_start3A_664 = tpu.memref_squeeze %dma_start3A_663 : memref<1x128x128xf32, #tpu.memory_space<vmem>> -> memref<128x128xf32, #tpu.memory_space<vmem>>
        %dma_start3A_665 = arith.constant 0 : i32
        %dma_start3A_666 = tpu.memref_slice %arg2[%add3A_459, %dma_start3A_665] : memref<524288x128xf32, #tpu.memory_space<hbm>> -> memref<128x128xf32, #tpu.memory_space<hbm>>
        tpu.enqueue_dma source(%dma_start3A_666 : memref<128x128xf32, #tpu.memory_space<hbm>>) target(%dma_start3A_664 : memref<128x128xf32, #tpu.memory_space<vmem>>) target_semaphore(%dma_start3A_660 : memref<!tpu.dma_semaphore, #tpu.memory_space<semaphore_mem>>)
      } else {
      }
      %mul3A_328 = arith.constant 32 : i32
      %mul3A_329 = arith.muli %add3A, %mul3A_328 : i32
      %jit3A_330 = arith.constant 4 : i32
      %div3A_331 = arith.divsi %add3A_315, %jit3A_330 : i32
      %sign3A_332 = arith.constant 0 : i32
      %sign3A_333 = arith.cmpi sgt, %add3A_315, %sign3A_332 : i32
      %sign3A_334 = arith.extui %sign3A_333 : i1 to i32
      %sign3A_335 = arith.constant 0 : i32
      %sign3A_336 = arith.cmpi slt, %add3A_315, %sign3A_335 : i32
      %sign3A_337 = arith.extui %sign3A_336 : i1 to i32
      %sign3A_338 = arith.subi %sign3A_334, %sign3A_337 : i32
      %sign3A_339 = arith.constant 0 : i32
      %sign3A_340 = arith.cmpi sgt, %jit3A_330, %sign3A_339 : i32
      %sign3A_341 = arith.extui %sign3A_340 : i1 to i32
      %sign3A_342 = arith.constant 0 : i32
      %sign3A_343 = arith.cmpi slt, %jit3A_330, %sign3A_342 : i32
      %sign3A_344 = arith.extui %sign3A_343 : i1 to i32
      %sign3A_345 = arith.subi %sign3A_341, %sign3A_344 : i32
      %ne3A_346 = arith.cmpi ne, %sign3A_338, %sign3A_345 : i32
      %rem3A_347 = arith.remsi %add3A_315, %jit3A_330 : i32
      %ne3A_348 = arith.constant 0 : i32
      %ne3A_349 = arith.cmpi ne, %rem3A_347, %ne3A_348 : i32
      %and3A_350 = arith.andi %ne3A_346, %ne3A_349 : i1
      %sub3A_351 = arith.constant 1 : i32
      %sub3A_352 = arith.subi %div3A_331, %sub3A_351 : i32
      %select_n3A_353 = arith.select %and3A_350, %sub3A_352, %div3A_331 : i32
      %add3A_354 = arith.addi %mul3A_329, %select_n3A_353 : i32
      %mul3A_355 = arith.constant 512 : i32
      %mul3A_356 = arith.muli %add3A_354, %mul3A_355 : i32
      %jit3A_357 = arith.constant 4 : i32
      %eq3A_358 = arith.constant 0 : i32
      %eq3A_359 = arith.cmpi eq, %jit3A_357, %eq3A_358 : i32
      %jit3A_360 = arith.constant 1 : i32
      %select_n3A_361 = arith.select %eq3A_359, %jit3A_360, %jit3A_357 : i32
      %rem3A_362 = arith.remsi %add3A_315, %select_n3A_361 : i32
      %ne3A_363 = arith.constant 0 : i32
      %ne3A_364 = arith.cmpi ne, %rem3A_362, %ne3A_363 : i32
      %lt3A_365 = arith.constant 0 : i32
      %lt3A_366 = arith.cmpi slt, %rem3A_362, %lt3A_365 : i32
      %lt3A_367 = arith.constant 0 : i32
      %lt3A_368 = arith.cmpi slt, %select_n3A_361, %lt3A_367 : i32
      %ne3A_369 = arith.xori %lt3A_366, %lt3A_368 : i1
      %and3A_370 = arith.andi %ne3A_369, %ne3A_364 : i1
      %add3A_371 = arith.addi %rem3A_362, %select_n3A_361 : i32
      %select_n3A_372 = arith.select %and3A_370, %add3A_371, %rem3A_362 : i32
      %mul3A_373 = arith.constant 128 : i32
      %mul3A_374 = arith.muli %select_n3A_372, %mul3A_373 : i32
      %add3A_375 = arith.addi %mul3A_356, %mul3A_374 : i32
      %dma_wait3A_376 = arith.constant 1 : i32
      %dma_wait3A_377 = arith.constant 1 : i32
      %dma_wait3A_378 = arith.constant 0 : i32
      %dma_wait3A_379 = arith.constant 0 : i32
      %dma_wait3A_380 = tpu.memref_slice %arg8[%dma_wait3A_376, %dma_wait3A_378, %dma_wait3A_379] : memref<2x128x128xf32, #tpu.memory_space<vmem>> -> memref<1x128x128xf32, #tpu.memory_space<vmem>>
      %dma_wait3A_381 = tpu.memref_squeeze %dma_wait3A_380 : memref<1x128x128xf32, #tpu.memory_space<vmem>> -> memref<128x128xf32, #tpu.memory_space<vmem>>
      %dma_wait3A_382 = arith.constant 0 : i32
      %dma_wait3A_383 = tpu.memref_slice %arg2[%add3A_375, %dma_wait3A_382] : memref<524288x128xf32, #tpu.memory_space<hbm>> -> memref<128x128xf32, #tpu.memory_space<hbm>>
      %dma_wait3A_384 = tpu.memref_slice %arg9[%dma_wait3A_377] : memref<2x!tpu.dma_semaphore, #tpu.memory_space<semaphore_mem>> -> memref<1x!tpu.dma_semaphore, #tpu.memory_space<semaphore_mem>>
      %dma_wait3A_385 = tpu.memref_squeeze %dma_wait3A_384 : memref<1x!tpu.dma_semaphore, #tpu.memory_space<semaphore_mem>> -> memref<!tpu.dma_semaphore, #tpu.memory_space<semaphore_mem>>
      %dma_wait3A_386 = arith.constant 0 : i32
      %dma_wait3A_387 = arith.constant 0 : i32
      %dma_wait3A_388 = tpu.memref_slice %arg8[%dma_wait3A_376, %dma_wait3A_386, %dma_wait3A_387] : memref<2x128x128xf32, #tpu.memory_space<vmem>> -> memref<1x128x128xf32, #tpu.memory_space<vmem>>
      %dma_wait3A_389 = tpu.memref_squeeze %dma_wait3A_388 : memref<1x128x128xf32, #tpu.memory_space<vmem>> -> memref<128x128xf32, #tpu.memory_space<vmem>>
      %dma_wait3A_390 = arith.constant 0 : i32
      %dma_wait3A_391 = tpu.memref_slice %arg2[%add3A_375, %dma_wait3A_390] : memref<524288x128xf32, #tpu.memory_space<hbm>> -> memref<128x128xf32, #tpu.memory_space<hbm>>
      tpu.wait_dma2 semaphore(%dma_wait3A_385 : memref<!tpu.dma_semaphore, #tpu.memory_space<semaphore_mem>>) src(%dma_wait3A_391 : memref<128x128xf32, #tpu.memory_space<hbm>>) dst(%dma_wait3A_389 : memref<128x128xf32, #tpu.memory_space<vmem>>)
      %run_scoped3A_392 = arith.constant 1 : i32
      %run_scoped3A_393 = arith.constant 1 : i32
      "tpu.region"() ({
        %run_scoped3A_410 = tpu.sem_alloc : memref<!tpu.dma_semaphore, #tpu.memory_space<semaphore_mem>>
        %dma_start3A_411 = arith.constant 0 : i32
        %dma_start3A_412 = arith.constant 0 : i32
        %dma_start3A_413 = tpu.memref_slice %arg8[%run_scoped3A_393, %dma_start3A_411, %dma_start3A_412] : memref<2x128x128xf32, #tpu.memory_space<vmem>> -> memref<1x128x128xf32, #tpu.memory_space<vmem>>
        %dma_start3A_414 = tpu.memref_squeeze %dma_start3A_413 : memref<1x128x128xf32, #tpu.memory_space<vmem>> -> memref<128x128xf32, #tpu.memory_space<vmem>>
        %dma_start3A_415 = arith.constant 0 : i32
        %dma_start3A_416 = tpu.memref_slice %arg7[%run_scoped3A_392, %dma_start3A_415] : memref<2x128xi32, #tpu.memory_space<vmem>> -> memref<1x128xi32, #tpu.memory_space<vmem>>
        %dma_start3A_417 = tpu.memref_squeeze %dma_start3A_416 : memref<1x128xi32, #tpu.memory_space<vmem>> -> memref<128xi32, #tpu.memory_space<vmem>>
        %dma_start3A_418 = arith.constant 0 : i32
        %dma_start3A_419 = arith.constant 0 : i32
        %dma_start3A_420 = tpu.memref_slice %arg11[%dma_start3A_418, %dma_start3A_419] : memref<65x128xf32, #tpu.memory_space<vmem_shared>> -> memref<65x128xf32, #tpu.memory_space<vmem_shared>>
        tpu.enqueue_indirect_dma source(%dma_start3A_420 : memref<65x128xf32, #tpu.memory_space<vmem_shared>>) target(%dma_start3A_414 : memref<128x128xf32, #tpu.memory_space<vmem>>) offsets(%dma_start3A_417 : memref<128xi32, #tpu.memory_space<vmem>>) semaphore(%run_scoped3A_410 : memref<!tpu.dma_semaphore, #tpu.memory_space<semaphore_mem>>) {add = true}
        %dma_wait3A_421 = arith.constant 0 : i32
        %dma_wait3A_422 = arith.constant 0 : i32
        %dma_wait3A_423 = tpu.memref_slice %arg8[%run_scoped3A_393, %dma_wait3A_421, %dma_wait3A_422] : memref<2x128x128xf32, #tpu.memory_space<vmem>> -> memref<1x128x128xf32, #tpu.memory_space<vmem>>
        %dma_wait3A_424 = tpu.memref_squeeze %dma_wait3A_423 : memref<1x128x128xf32, #tpu.memory_space<vmem>> -> memref<128x128xf32, #tpu.memory_space<vmem>>
        %dma_wait3A_425 = arith.constant 0 : i32
        %dma_wait3A_426 = tpu.memref_slice %arg7[%run_scoped3A_392, %dma_wait3A_425] : memref<2x128xi32, #tpu.memory_space<vmem>> -> memref<1x128xi32, #tpu.memory_space<vmem>>
        %dma_wait3A_427 = tpu.memref_squeeze %dma_wait3A_426 : memref<1x128xi32, #tpu.memory_space<vmem>> -> memref<128xi32, #tpu.memory_space<vmem>>
        %dma_wait3A_428 = arith.constant 0 : i32
        %dma_wait3A_429 = arith.constant 0 : i32
        %dma_wait3A_430 = tpu.memref_slice %arg11[%dma_wait3A_428, %dma_wait3A_429] : memref<65x128xf32, #tpu.memory_space<vmem_shared>> -> memref<65x128xf32, #tpu.memory_space<vmem_shared>>
        tpu.wait_indirect_dma semaphore(%run_scoped3A_410 : memref<!tpu.dma_semaphore, #tpu.memory_space<semaphore_mem>>) src(%dma_wait3A_430 : memref<65x128xf32, #tpu.memory_space<vmem_shared>>) dst(%dma_wait3A_424 : memref<128x128xf32, #tpu.memory_space<vmem>>)
        tpu.yield
      }) : () -> ()
      %dma_start3A_394 = arith.constant 1 : i32
      %dma_start3A_395 = arith.constant 1 : i32
      %dma_start3A_396 = arith.constant 0 : i32
      %dma_start3A_397 = arith.constant 0 : i32
      %dma_start3A_398 = tpu.memref_slice %arg8[%dma_start3A_394, %dma_start3A_396, %dma_start3A_397] : memref<2x128x128xf32, #tpu.memory_space<vmem>> -> memref<1x128x128xf32, #tpu.memory_space<vmem>>
      %dma_start3A_399 = tpu.memref_squeeze %dma_start3A_398 : memref<1x128x128xf32, #tpu.memory_space<vmem>> -> memref<128x128xf32, #tpu.memory_space<vmem>>
      %dma_start3A_400 = arith.constant 0 : i32
      %dma_start3A_401 = tpu.memref_slice %arg5[%add3A_375, %dma_start3A_400] : memref<524288x128xf32, #tpu.memory_space<hbm>> -> memref<128x128xf32, #tpu.memory_space<hbm>>
      %dma_start3A_402 = tpu.memref_slice %arg10[%dma_start3A_395] : memref<2x!tpu.dma_semaphore, #tpu.memory_space<semaphore_mem>> -> memref<1x!tpu.dma_semaphore, #tpu.memory_space<semaphore_mem>>
      %dma_start3A_403 = tpu.memref_squeeze %dma_start3A_402 : memref<1x!tpu.dma_semaphore, #tpu.memory_space<semaphore_mem>> -> memref<!tpu.dma_semaphore, #tpu.memory_space<semaphore_mem>>
      %dma_start3A_404 = arith.constant 0 : i32
      %dma_start3A_405 = tpu.memref_slice %arg5[%add3A_375, %dma_start3A_404] : memref<524288x128xf32, #tpu.memory_space<hbm>> -> memref<128x128xf32, #tpu.memory_space<hbm>>
      %dma_start3A_406 = arith.constant 0 : i32
      %dma_start3A_407 = arith.constant 0 : i32
      %dma_start3A_408 = tpu.memref_slice %arg8[%dma_start3A_394, %dma_start3A_406, %dma_start3A_407] : memref<2x128x128xf32, #tpu.memory_space<vmem>> -> memref<1x128x128xf32, #tpu.memory_space<vmem>>
      %dma_start3A_409 = tpu.memref_squeeze %dma_start3A_408 : memref<1x128x128xf32, #tpu.memory_space<vmem>> -> memref<128x128xf32, #tpu.memory_space<vmem>>
      tpu.enqueue_dma source(%dma_start3A_409 : memref<128x128xf32, #tpu.memory_space<vmem>>) target(%dma_start3A_405 : memref<128x128xf32, #tpu.memory_space<hbm>>) target_semaphore(%dma_start3A_403 : memref<!tpu.dma_semaphore, #tpu.memory_space<semaphore_mem>>)
      scf.yield %add3A_354 : i32
    }
    %scan3A_191 = arith.constant 64 : i32
    %mul3A_192 = arith.constant 32 : i32
    %mul3A_193 = arith.muli %add3A, %mul3A_192 : i32
    %add3A_194 = arith.constant 31 : i32
    %add3A_195 = arith.addi %mul3A_193, %add3A_194 : i32
    %mul3A_196 = arith.constant 512 : i32
    %mul3A_197 = arith.muli %add3A_195, %mul3A_196 : i32
    %add3A_198 = arith.constant 384 : i32
    %add3A_199 = arith.addi %mul3A_197, %add3A_198 : i32
    %dma_wait3A = arith.constant 1 : i32
    %dma_wait3A_200 = arith.constant 1 : i32
    %dma_wait3A_201 = arith.constant 0 : i32
    %dma_wait3A_202 = arith.constant 0 : i32
    %dma_wait3A_203 = tpu.memref_slice %arg8[%dma_wait3A, %dma_wait3A_201, %dma_wait3A_202] : memref<2x128x128xf32, #tpu.memory_space<vmem>> -> memref<1x128x128xf32, #tpu.memory_space<vmem>>
    %dma_wait3A_204 = tpu.memref_squeeze %dma_wait3A_203 : memref<1x128x128xf32, #tpu.memory_space<vmem>> -> memref<128x128xf32, #tpu.memory_space<vmem>>
    %dma_wait3A_205 = arith.constant 0 : i32
    %dma_wait3A_206 = tpu.memref_slice %arg5[%add3A_199, %dma_wait3A_205] : memref<524288x128xf32, #tpu.memory_space<hbm>> -> memref<128x128xf32, #tpu.memory_space<hbm>>
    %dma_wait3A_207 = tpu.memref_slice %arg10[%dma_wait3A_200] : memref<2x!tpu.dma_semaphore, #tpu.memory_space<semaphore_mem>> -> memref<1x!tpu.dma_semaphore, #tpu.memory_space<semaphore_mem>>
    %dma_wait3A_208 = tpu.memref_squeeze %dma_wait3A_207 : memref<1x!tpu.dma_semaphore, #tpu.memory_space<semaphore_mem>> -> memref<!tpu.dma_semaphore, #tpu.memory_space<semaphore_mem>>
    %dma_wait3A_209 = arith.constant 0 : i32
    %dma_wait3A_210 = tpu.memref_slice %arg5[%add3A_199, %dma_wait3A_209] : memref<524288x128xf32, #tpu.memory_space<hbm>> -> memref<128x128xf32, #tpu.memory_space<hbm>>
    %dma_wait3A_211 = arith.constant 0 : i32
    %dma_wait3A_212 = arith.constant 0 : i32
    %dma_wait3A_213 = tpu.memref_slice %arg8[%dma_wait3A, %dma_wait3A_211, %dma_wait3A_212] : memref<2x128x128xf32, #tpu.memory_space<vmem>> -> memref<1x128x128xf32, #tpu.memory_space<vmem>>
    %dma_wait3A_214 = tpu.memref_squeeze %dma_wait3A_213 : memref<1x128x128xf32, #tpu.memory_space<vmem>> -> memref<128x128xf32, #tpu.memory_space<vmem>>
    tpu.wait_dma2 semaphore(%dma_wait3A_208 : memref<!tpu.dma_semaphore, #tpu.memory_space<semaphore_mem>>) src(%dma_wait3A_214 : memref<128x128xf32, #tpu.memory_space<vmem>>) dst(%dma_wait3A_210 : memref<128x128xf32, #tpu.memory_space<hbm>>)
    return
  }
}

</mosaic_0001>

<sc_bundles>
// kernel: kernel.3.cloned.1.call-start
scs
__scs_entry_jumppad:
0x0: {  	(pc) =	sbr.rel $0x88, $3  }
0x1: {  	(tag) =	ssettag $0x0;
	lr =	simm.s32 $0x1  }
0x2: {  	[smem:$0x3F9E] =	sst lr;
	_ =	strace $0xD0000000  }
0x3: {  	_ = 	snop  }
0x4: {  	_ = 	snop  }
0x5: {  	_ = 	snop  }
0x6: {  	_ = 	snop  }
0x7: {  	_ = 	snop  }
__scs_overlays_trampoline_lowered:
0x8: {  	[smem:$0x3FAD] =	sst s0  }
0x9: {  	[smem:$0x3FAE] =	sst s1  }
0xa: {  	[smem:$0x3FAF] =	sst s2  }
0xb: {  	[smem:$0x3FB0] =	sst s3  }
0xc: {  	[smem:$0x3FB1] =	sst s4  }
0xd: {  	[smem:$0x3FB2] =	sst s5  }
0xe: {  	[smem:$0x3FB3] =	sst s6  }
0xf: {  	[smem:$0x3FB4] =	sst s7  }
0x10: {  	[smem:$0x3FB5] =	sst s8  }
0x11: {  	[smem:$0x3FB6] =	sst s9;
	s0 =	simm.s32 @!p0 $0x0  }
0x12: {  	s1 =	sld [smem:$0x3F9C];
	s0 =	simm.s32 @p0 $0x1  }
0x13: {  	[smem:$0x3FB7] =	sst s0;
	s0 =	simm.s32 @!p1 $0x0  }
0x14: {  	s2 =	sld [smem:$0x3F9B];
	s0 =	simm.s32 @p1 $0x1  }
0x15: {  	[smem:$0x3FB8] =	sst s0;
	s0 =	simm.s32 @!p2 $0x0  }
0x16: {  	s3 =	sld [smem:$0x3FDB];
	s0 =	simm.s32 @p2 $0x1  }
0x17: {  	s4 =	simm.s32 $0x1BF5;
	[smem:$0x3FBA] =	sst s0  }
0x18: {  	s0 =	sld [smem:$0x3F9D];
	_ =	swait.ge [sflag:s4], $0x0  }
0x19: {  	s7 =	sld [smem:$0x3F9E]  }
0x1a: {  	s8 =	sadd.s32 $0xFFFFE003, lr  }
0x1b: {  	s9 =	sadd.s32 $0xFFFFFEF7, lr;
	s5 =	simm.s32 $0xFFFFFFFF;
	p2 =	slt.u32 s8, $0xFFFFF086  }
0x1c: {  	p1 =	slt.u32 s9, $0xF7A;
	s5 =	simm.s32 @!p2 $0x0  }
0x1d: {  	s5 =	simm.s32 @p1 $0x1;
	p0 =	seq.s32 s7, s2  }
0x1e: {  	s7 =	smul.u32 @!p0 $0xF7A, s2;
	p2 =	seq.s32 @!p0 s5, $0x0  }
0x1f: {  	s9 =	smul.u32 $0xF7A, s1;
	s8 =	simm.s32 @!p0 $0x1BF5;
	p2 =	por !p2, p0  }
0x20: {  	[sflag:s8] =	ssyncset.s32 @!p0 $0xFFFFF086;
	s6 =	sadd.s32 @!p0 s3, s7;
	s7 =	simm.s32 @!p0 $0x108  }
0x21: {  	s3 =	sadd.s32 s3, s9;
	s6 =	sadd.s32 @!p0 $0x88, s6;
	s7 =	simm.s32 @p2 $0x1082  }
0x22: {  	[simem:s7], [sflag:s8] =	dma.local @!p0 [hbm:s6], $0xF7A  }
0x23: {  	s9 =	sor.u32 $0xD0000000, s2;
	s6 =	simm.s32 $0x108;
	_ =	swait.ge @!p0 [sflag:s8], $0x0  }
0x24: {  	s3 =	sadd.s32 $0x88, s3;
	s6 =	simm.s32 @!p1 $0x1082;
	[sflag:s4] =	ssyncset.s32 $0xFFFFF086  }
0x25: {  	[simem:s6], [sflag:s4] =	dma.local [hbm:s3], $0xF7A  }
0x26: {  	[smem:$0x3F9E] =	sst s1;
	(tag) =	ssettag s2;
	_ =	strace s9  }
0x27: {  	s1 =	sld [smem:$0x3FAE]  }
0x28: {  	s2 =	sld [smem:$0x3FAF]  }
0x29: {  	s4 =	sld [smem:$0x3FB1]  }
0x2a: {  	p0 =	seq.s32 s5, $0x0;
	s5 =	sld [smem:$0x3FB2]  }
0x2b: {  	s6 =	sld [smem:$0x3FB3]  }
0x2c: {  	s7 =	sld [smem:$0x3FB4]  }
0x2d: {  	s3 =	simm.s32 $0x108;
	s8 =	sld [smem:$0x3FB5]  }
0x2e: {  	s3 =	simm.s32 @!p0 $0x1082;
	s9 =	sld [smem:$0x3FB6]  }
0x2f: {  	lr =	sadd.s32 s0, s3;
	s0 =	sld [smem:$0x3FAD]  }
0x30: {  	s3 =	sld [smem:$0x3FB0]  }
0x31: {  	[smem:$0x3FB9] =	sst s10  }
0x32: {  	s10 =	sld [smem:$0x3FB7];
	_ =	sdelay $0x3  }
0x33: {  	p0 =	seq.s32 s10, $0x1;
	s10 =	sld [smem:$0x3FB9];
	_ =	sdelay $0x3  }
0x34: {  	[smem:$0x3FB9] =	sst s10  }
0x35: {  	s10 =	sld [smem:$0x3FB8];
	_ =	sdelay $0x3  }
0x36: {  	p1 =	seq.s32 s10, $0x1;
	s10 =	sld [smem:$0x3FB9];
	_ =	sdelay $0x3  }
0x37: {  	[smem:$0x3FB9] =	sst s10  }
0x38: {  	s10 =	sld [smem:$0x3FBA]  }
0x39: {  	_ = 	snop;
	(pc) =	sbr.ind lr, $3  }
0x3a: {  	_ = 	snop  }
0x3b: {  	_ = 	snop  }
0x3c: {  	p2 =	seq.s32 s10, $0x1;
	s10 =	sld [smem:$0x3FB9]  }
0x3d: {  	_ =	shalt  }
0x3e: {  	_ =	shalt  }
0x3f: {  	_ =	shalt  }
0x40: {  	_ =	shalt  }
0x41: {  	_ =	shalt  }
0x42: {  	_ =	shalt  }
0x43: {  	_ =	shalt  }
0x44: {  	_ =	shalt  }
0x45: {  	_ =	shalt  }
0x46: {  	_ =	shalt  }
0x47: {  	_ =	shalt  }
0x48: {  	_ =	shalt  }
0x49: {  	_ =	shalt  }
0x4a: {  	_ =	shalt  }
0x4b: {  	_ =	shalt  }
0x4c: {  	_ =	shalt  }
0x4d: {  	_ =	shalt  }
0x4e: {  	_ =	shalt  }
0x4f: {  	_ =	shalt  }
0x50: {  	_ =	shalt  }
0x51: {  	_ =	shalt  }
0x52: {  	_ =	shalt  }
0x53: {  	_ =	shalt  }
0x54: {  	_ =	shalt  }
0x55: {  	_ =	shalt  }
0x56: {  	_ =	shalt  }
0x57: {  	_ =	shalt  }
0x58: {  	_ =	shalt  }
0x59: {  	_ =	shalt  }
0x5a: {  	_ =	shalt  }
0x5b: {  	_ =	shalt  }
0x5c: {  	_ =	shalt  }
0x5d: {  	_ =	shalt  }
0x5e: {  	_ =	shalt  }
0x5f: {  	_ =	shalt  }
0x60: {  	_ =	shalt  }
0x61: {  	_ =	shalt  }
0x62: {  	_ =	shalt  }
0x63: {  	_ =	shalt  }
0x64: {  	_ =	shalt  }
0x65: {  	_ =	shalt  }
0x66: {  	_ =	shalt  }
0x67: {  	_ =	shalt  }
0x68: {  	_ =	shalt  }
0x69: {  	_ =	shalt  }
0x6a: {  	_ =	shalt  }
0x6b: {  	_ =	shalt  }
0x6c: {  	_ =	shalt  }
0x6d: {  	_ =	shalt  }
0x6e: {  	_ =	shalt  }
0x6f: {  	_ =	shalt  }
0x70: {  	_ =	shalt  }
0x71: {  	_ =	shalt  }
0x72: {  	_ =	shalt  }
0x73: {  	_ =	shalt  }
0x74: {  	_ =	shalt  }
0x75: {  	_ =	shalt  }
0x76: {  	_ =	shalt  }
0x77: {  	_ =	shalt  }
0x78: {  	_ =	shalt  }
0x79: {  	_ =	shalt  }
0x7a: {  	_ =	shalt  }
0x7b: {  	_ =	shalt  }
0x7c: {  	_ =	shalt  }
0x7d: {  	_ =	shalt  }
0x7e: {  	_ =	shalt  }
0x7f: {  	_ =	shalt  }
0x80: {  	_ =	shalt  }
0x81: {  	_ =	shalt  }
0x82: {  	_ =	shalt  }
0x83: {  	_ =	shalt  }
0x84: {  	_ =	shalt  }
0x85: {  	_ =	shalt  }
0x86: {  	_ =	shalt  }
0x87: {  	_ =	shalt  }
.Lfunc_end0:
.L_simem_size_0:
called_computation_lowered:
.L_overlay_start_0:
0x88: {  	s2 =	sld [smem:$0x3FD9]  }
0x89: {  	s3 =	sld [smem:$0x3FFE];
	_ =	sdelay $0x1  }
0x8a: {  	s1 =	srdreg.scid  }
0x8b: {  	s0 =	sand.u32 $0x1, s1  }
0x8c: {  	s17 =	sshll.u32 s0, $0xA;
	s2 =	sadd.s32 s3, s2  }
0x8d: {  	s2 =	sadd.s32 s2, s17  }
0x8e: {  	[smem:$0x3FC5] =	sst s2  }
0x8f: {  	_ = 	snop  }
0x90: {  	s2 =	sld [smem:$0x3FC9]  }
0x91: {  	s18 =	sld [smem:$0x3FC7]  }
0x92: {  	s4 =	sld [smem:$0x3FD0];
	(tm) =	ssettm $0x1  }
0x93: {  	s5 =	sld [smem:$0x3FFB];
	_ =	sdelay $0x3  }
0x94: {  	_ =	strace s5  }
0x95: {  	s5 =	sld [smem:$0x3FFC];
	_ =	sdelay $0x3  }
0x96: {  	_ =	strace s5  }
0x97: {  	s5 =	sld [smem:$0x3FFD];
	_ =	sdelay $0x3  }
0x98: {  	_ =	strace s5  }
0x99: {  	_ =	strace $0x8FFFFFFF  }
0x9a: {  	s19 =	sld [smem:$0x3FDB];
	_ =	sdelay $0x1  }
0x9b: {  	s6 =	simm.s32 $_scs_section_size  }
0x9c: {  	s7 =	simm.s32 $_size__tile_overlayer_lowered;
	s8 =	simm.s32 $_tile_overlayer_lowered  }
0x9d: {  	s22 =	simm.s32 $0x1BFF;
	s21 =	sshll.u32 s8, $0x1;
	s5 =	sadd.s32 s6, s19  }
0x9e: {  	s9 =	simm.s32 $0x0;
	s20 =	sshll.u32 s7, $0x1;
	s7 =	sadd.s32 s21, s5  }
0x9f: {  	[timem:s9], [sflag:s22] =	dma.local [hbm:s7], s20  }
0xa0: {  	_ =	swait.ge [sflag:s22], s20  }
0xa1: {  	s6 =	ssub.s32 $0x0, s20;
	[sflag:s22] =	ssyncset.done $0x0  }
0xa2: {  	[sflag:s22] =	ssyncadd.s32 s6;
	_ =	sdelay $0x1  }
0xa3: {  	s23 =	simm.s32 $0x1B8B  }
0xa4: {  	_ =	swait.ge [sflag:s23], $0x1  }
0xa5: {  	[sflag:s23] =	ssyncset.done $0x0  }
0xa6: {  	s25 =	simm.s32 $0x1B8E;
	s24 =	sld [smem:$0x3FFE];
	[sflag:s23] =	ssyncadd.s32 $0xFFFFFFFF  }
0xa7: {  	s26 =	simm.s32 $execute0_lowered;
	[smem:$0x3FD2] =	sst s25  }
0xa8: {  	s7 =	sshll.u32 s26, $0x1;
	_ =	strace $0x80000046;
	[dreg:$0x1] =	wrdreg $0xFFFFFFFF  }
0xa9: {  	s28 =	simm.s32 $_size_execute0_lowered;
	s5 =	sadd.s32 s5, s7;
	[dreg:$0x0] =	wrdreg $0x0  }
0xaa: {  	s7 =	sshll.u32 s28, $0x1;
	[dreg:$0x2] =	wrdreg s5  }
0xab: {  	[dreg:$0x3] =	wrdreg s7  }
0xac: {  	[dreg:$0x4] =	wrdreg $0xC0  }
0xad: {  	_ =	task [dreg:s9], $0x5FFFF  }
0xae: {  	[dreg:$0x1] =	wrdreg $0xFFFFFFFF  }
0xaf: {  	[dreg:$0x0] =	wrdreg $0x60  }
0xb0: {  	[dreg:$0x2] =	wrdreg s2  }
0xb1: {  	[dreg:$0x3] =	wrdreg s24  }
0xb2: {  	[dreg:$0x4] =	wrdreg s18  }
0xb3: {  	[dreg:$0x5] =	wrdreg s4  }
0xb4: {  	[dreg:$0x6] =	wrdreg $0x85000  }
0xb5: {  	[dreg:$0x7] =	wrdreg $0x9  }
0xb6: {  	_ =	task.clear_ibuf [dreg:s9], $0x8FFFF;
	_ =	strace $0x90000046  }
0xb7: {  	s29 =	simm.s32 $0x9;
	_ =	strace $0x80000048  }
0xb8: {  	_ =	swait.ge [sflag:s29], $0x1  }
0xb9: {  	[sflag:s29] =	ssyncadd.s32 $0xFFFFFFFF  }
0xba: {  	_ =	strace $0x90000048  }
0xbb: {  	_ =	sfence  }
0xbc: {  	s30 =	sld [smem:$0x0];
	_ =	sdelay $0x2  }
0xbd: {  	s31 =	sshll.u32 s1, $0xD;
	s1 =	sshrl.u32 s1, $0x2  }
0xbe: {  	s3 =	sand.u32 $0x4000, s31;
	s1 =	sadd.s32 s1, s30  }
0xbf: {  	s0 =	sor.u32 s3, s0;
	s1 =	sshll.u32 s1, $0x11  }
0xc0: {  	s0 =	sor.u32 s1, s0  }
0xc1: {  	s0 =	sadd.s32 $0x8F2B, s0  }
0xc2: {  	[sflag:s0] =	ssyncadd.remote.s32 $0x1  }
0xc3: {  	_ =	sfence.sel $0xFFFF  }
0xc4: {  	[dreg:$0x0] =	wrdreg $0xFFFFFFFF;
	(pc) =	sbr.abs _section_cstart, $3  }
0xc5: {  	[dreg:$0x1] =	wrdreg $0xFFFFFFFF  }
0xc6: {  	_ =	task.clear_ibuf [dreg:s9], $0x2FFFF;
	_ =	strace $0x9FFFFFFF  }
0xc7: {  	(tm) =	ssettm $0x7FFFFFFF  }
tec
execute0_lowered:
.L_overlay_start_1:
0x0: {  	(tag) =	ssettag $0x1  }
0x1: {  	s1 =	rddreg [dreg:$0x0]  }
0x2: {  	s6 =	rddreg [dreg:$0x1]  }
0x3: {  	s2 =	rddreg [dreg:$0x2]  }
0x4: {  	s3 =	rddreg [dreg:$0x3]  }
0x5: {  	s4 =	rddreg [dreg:$0x4]  }
0x6: {  	s0 =	rddreg [dreg:$0x5]  }
0x7: {  	s5 =	simm.s32 $0x0;
	s7 =	srdreg.scid;
	s11 =	stileid.u32  }
0x8: {  	s13 =	simm.s32 $0x500;
	s14 =	simm.s32 $0x4500;
	s15 =	simm.s32 $0x1  }
0x9: {  	s16 =	simm.s32 $0x80;
	s17 =	simm.s32 $0x400;
	s18 =	simm.s32 $0x3  }
0xa: {  	s19 =	simm.s32 $0x2;
	s20 =	simm.s32 $0x480;
	s21 =	simm.s32 $0x4  }
0xb: {  	[smem:$0x7FF] =	sst s5;
	s7 =	sand.u32 $0x1, s7;
	s9 =	sshll.u32 s11, $0x1  }
0xc: {  	s6 =	sadd.s32 $0x400, s6;
	s12 =	sshll.u32 s11, $0x6;
	p0 =	sne.s32 s11, $0x0  }
.Ltmp0:
0xd: {  	_ =	strace $0x80000047;
	s8 =	ssub.s32 $0x2, s7;
	(pc) =	sbr.rel .LBB2_1-.Ltmp0, $4  }
0xe: {  	s9 =	sor.u32 s7, s9;
	s22 =	sand.u32 $0x200, s12;
	s11 =	sshrl.u32 @!p0 s4, $0x3  }
0xf: {  	s12 =	simm.s32 $0x5;
	s10 =	sshrl.u32 s8, $0x1;
	s7 =	sshll.u32 s9, $0x5  }
0x10: {  	s9 =	sshll.u32 s9, $0x12;
	v1 =	vmov s22;
	s22 =	simm.s32 $0x0;
	s10 =	ssub.s32 s8, s10;
	v0 =	vmov s7  }
0x11: {  	s8 =	sand.u32 $0x200, s7;
	s9 =	sadd.s32 s1, s9;
	s10 =	smax.u32 s10, $0x1;
	v0 =	vbroadcast v0, $0x0  }
.LBB2_5:
0x12: {  	s22 =	sadd.s32 $0x1, s22  }
0x13: {  	p1 =	sne.s32 s22, s10  }
.Ltmp1:
0x14: {  	_ = 	snop;
	(pc) =	sbr.rel @!p1 .LBB2_6-.Ltmp1, $4  }
0x15: {  	_ = 	snop  }
0x16: {  	_ =	swait.ge [sflag:s21], $0x4000  }
0x17: {  	[sflag:s21] =	ssyncset.done $0x0  }
0x18: {  	[sflag:s21] =	ssyncadd.s32 $0xFFFFC000  }
.LBB2_1:
0x19: {  	s23 =	simm.s32 @!p0 $0x1C05  }
0x1a: {  	[spmem:s11], [sflag:s23] =	dma.local @!p0 [hbm:s2], $0x410  }
0x1b: {  	s23 =	simm.s32 @!p0 $0x5  }
0x1c: {  	_ =	swait.ge @!p0 [sflag:s23], $0x410  }
0x1d: {  	[sflag:s23] =	ssyncset.done @!p0 $0x0  }
0x1e: {  	[sflag:s23] =	ssyncadd.s32 @!p0 $0xFFFFFBF0  }
0x1f: {  	[tilespmem:s5], [sflag:$0x5] =	stream.linear.gather [hbm4b:s6+s5], $0x400, $0x38;
	[tilespmem:$0x8708] =	vst v63  }
0x20: {  	_ =	swait.ge [sflag:s12], $0x400  }
0x21: {  	[sflag:s12] =	ssyncset.done $0x0  }
0x22: {  	[sflag:s12] =	ssyncadd.s32 $0xFFFFFC00  }
0x23: {  	[bflag:$0x0] =	sbarrier.arrive $0xFFFF  }
0x24: {  	v2 =	vld.idx.msk [tilespmem:v0+s5+$0x0], $0xffff  }
0x25: {  	v3 =	vld [tilespmem:s8+$0x0];
	_ =	sdelay $0x4  }
0x26: {  	v3 =	vsub.s32 v3, v2  }
0x27: {  	v3 =	vadd.s32 $0x20, v3  }
0x28: {  	vm0 =	vgt.s32 v3, $0x0  }
0x29: {  	v3 =	vnsel vm0, $0x0, v3  }
0x2a: {  	v3 =	vmin.u32 v3, $0x40  }
0x2b: {  	[tilespmem:$0x400] =	vst v3  }
0x2c: {  	v3 =	vld [tilespmem:s8+$0x10];
	_ =	sdelay $0x4  }
0x2d: {  	v3 =	vsub.s32 v3, v2  }
0x2e: {  	v3 =	vadd.s32 $0x20, v3  }
0x2f: {  	vm9 =	vgt.s32 v3, $0x0  }
0x30: {  	v3 =	vnsel vm9, $0x0, v3  }
0x31: {  	v3 =	vmin.u32 v3, $0x40  }
0x32: {  	[tilespmem:$0x410] =	vst v3  }
0x33: {  	v3 =	vld [tilespmem:s8+$0x20];
	_ =	sdelay $0x4  }
0x34: {  	v3 =	vsub.s32 v3, v2  }
0x35: {  	v3 =	vadd.s32 $0x20, v3  }
0x36: {  	vm10 =	vgt.s32 v3, $0x0  }
0x37: {  	v3 =	vnsel vm10, $0x0, v3  }
0x38: {  	v3 =	vmin.u32 v3, $0x40  }
0x39: {  	[tilespmem:$0x420] =	vst v3  }
0x3a: {  	v3 =	vld [tilespmem:s8+$0x30];
	_ =	sdelay $0x4  }
0x3b: {  	v3 =	vsub.s32 v3, v2  }
0x3c: {  	v3 =	vadd.s32 $0x20, v3  }
0x3d: {  	vm11 =	vgt.s32 v3, $0x0  }
0x3e: {  	v3 =	vnsel vm11, $0x0, v3  }
0x3f: {  	v3 =	vmin.u32 v3, $0x40  }
0x40: {  	[tilespmem:$0x430] =	vst v3  }
0x41: {  	v3 =	vld [tilespmem:s8+$0x40];
	_ =	sdelay $0x4  }
0x42: {  	v3 =	vsub.s32 v3, v2  }
0x43: {  	v3 =	vadd.s32 $0x20, v3  }
0x44: {  	vm12 =	vgt.s32 v3, $0x0  }
0x45: {  	v3 =	vnsel vm12, $0x0, v3  }
0x46: {  	v3 =	vmin.u32 v3, $0x40  }
0x47: {  	[tilespmem:$0x440] =	vst v3  }
0x48: {  	v3 =	vld [tilespmem:s8+$0x50];
	_ =	sdelay $0x4  }
0x49: {  	v3 =	vsub.s32 v3, v2  }
0x4a: {  	v3 =	vadd.s32 $0x20, v3  }
0x4b: {  	vm13 =	vgt.s32 v3, $0x0  }
0x4c: {  	v3 =	vnsel vm13, $0x0, v3  }
0x4d: {  	v3 =	vmin.u32 v3, $0x40  }
0x4e: {  	[tilespmem:$0x450] =	vst v3  }
0x4f: {  	v3 =	vld [tilespmem:s8+$0x60];
	_ =	sdelay $0x4  }
0x50: {  	v3 =	vsub.s32 v3, v2  }
0x51: {  	v3 =	vadd.s32 $0x20, v3  }
0x52: {  	vm14 =	vgt.s32 v3, $0x0  }
0x53: {  	v3 =	vnsel vm14, $0x0, v3  }
0x54: {  	v3 =	vmin.u32 v3, $0x40  }
0x55: {  	[tilespmem:$0x460] =	vst v3  }
0x56: {  	v3 =	vld [tilespmem:s8+$0x70];
	_ =	sdelay $0x4  }
0x57: {  	v2 =	vsub.s32 v3, v2  }
0x58: {  	v2 =	vadd.s32 $0x20, v2  }
.Ltmp2:
0x59: {  	vm15 =	vgt.s32 v2, $0x0;
	(pc) =	sbr.rel .LBB2_2-.Ltmp2, $4  }
0x5a: {  	v2 =	vnsel vm15, $0x0, v2  }
0x5b: {  	s24 =	simm.s32 $0x100;
	v2 =	vmin.u32 v2, $0x40  }
0x5c: {  	s25 =	simm.s32 $0x2;
	s26 =	simm.s32 $0x0;
	s23 =	simm.s32 $0x800;
	[tilespmem:$0x470] =	vst v2  }
0x5d: {  	[tilespmem:s13], [sflag:$0x1] =	stream.linear.gather [hbm4b:s9+s5], $0x4000, $0x38;
	[tilespmem:$0x8708] =	vst v63  }
.LBB2_4:
0x5e: {  	_ =	swait.ge [sflag:s19], $0x4000  }
0x5f: {  	s29 =	sand.u32 $0x1800, s23;
	s23 =	sadd.s32 $0x1000, s23;
	[sflag:s19] =	ssyncset.done $0x0  }
0x60: {  	p1 =	sne.s32 s23, $0x40800;
	[sflag:s19] =	ssyncadd.s32 $0xFFFFC000  }
0x61: {  	[tilespmem:s14], [sflag:$0x5] =	stream.indirect.gather.add.f32 [spmem:s4], $0x80, s20, s16, $0xb8;
	[tilespmem:$0x8708] =	vst v63  }
.Ltmp3:
0x62: {  	_ = 	snop;
	(pc) =	sbr.rel @!p1 .LBB2_5-.Ltmp3, $4  }
0x63: {  	s28 =	sadd.s32 s3, s28;
	_ =	swait.ge [sflag:s12], $0x4000  }
0x64: {  	s26 =	sadd.s32 $0x1, s26;
	s24 =	sadd.s32 $0x100, s24;
	[sflag:s12] =	ssyncset.done $0x0  }
0x65: {  	s25 =	sadd.s32 $0x2, s25;
	s28 =	sadd.s32 s29, s28;
	[sflag:s12] =	ssyncadd.s32 $0xFFFFC000  }
0x66: {  	[hbm4b:s28+s5] =	stream.linear.scatter [tilespmem:s14], [sflag:$0x4], $0x4000, $0x38;
	[tilespmem:$0x8708] =	vst v63  }
.LBB2_2:
0x67: {  	s28 =	sshrl.u32 s26, $0x1  }
0x68: {  	p1 =	seq.s32 s23, $0x800;
	s28 =	sor.u32 s7, s28  }
0x69: {  	s29 =	simm.s32 @!p1 $0x4;
	v2 =	vmov s28  }
0x6a: {  	_ =	swait.ge @!p1 [sflag:s29], $0x4000  }
0x6b: {  	s30 =	sadd.s32 $0xFFFFFF80, s24;
	[sflag:s29] =	ssyncset.done @!p1 $0x0  }
0x6c: {  	[sflag:s29] =	ssyncadd.s32 @!p1 $0xFFFFC000;
	s29 =	sand.u32 $0x180, s30  }
0x6d: {  	v3 =	vld.idx.msk [tilespmem:v1+s29+$0x0 ss:$0x1], $0xffff  }
0x6e: {  	v2 =	vld.idx.msk [tilespmem:v2+s5+$0x0], $0xffff;
	_ =	sdelay $0x4  }
0x6f: {  	v3 =	vsub.s32 v3, v2  }
0x70: {  	v3 =	vadd.s32 $0x20, v3  }
0x71: {  	vm0 =	vgt.s32 v3, $0x0  }
0x72: {  	v3 =	vnsel vm0, $0x0, v3  }
0x73: {  	v3 =	vmin.u32 v3, $0x40  }
0x74: {  	[tilespmem:$0x480] =	vst v3  }
0x75: {  	v3 =	vld.idx.msk [tilespmem:v1+s29+$0x10 ss:$0x1], $0xffff;
	_ =	sdelay $0x4  }
0x76: {  	v3 =	vsub.s32 v3, v2  }
0x77: {  	v3 =	vadd.s32 $0x20, v3  }
0x78: {  	vm9 =	vgt.s32 v3, $0x0  }
0x79: {  	v3 =	vnsel vm9, $0x0, v3  }
0x7a: {  	v3 =	vmin.u32 v3, $0x40  }
0x7b: {  	[tilespmem:$0x490] =	vst v3  }
0x7c: {  	v3 =	vld.idx.msk [tilespmem:v1+s29+$0x20 ss:$0x1], $0xffff;
	_ =	sdelay $0x4  }
0x7d: {  	v3 =	vsub.s32 v3, v2  }
0x7e: {  	v3 =	vadd.s32 $0x20, v3  }
0x7f: {  	vm10 =	vgt.s32 v3, $0x0  }
0x80: {  	v3 =	vnsel vm10, $0x0, v3  }
0x81: {  	v3 =	vmin.u32 v3, $0x40  }
0x82: {  	[tilespmem:$0x4A0] =	vst v3  }
0x83: {  	v3 =	vld.idx.msk [tilespmem:v1+s29+$0x30 ss:$0x1], $0xffff;
	_ =	sdelay $0x4  }
0x84: {  	v3 =	vsub.s32 v3, v2  }
0x85: {  	v3 =	vadd.s32 $0x20, v3  }
0x86: {  	vm11 =	vgt.s32 v3, $0x0  }
0x87: {  	v3 =	vnsel vm11, $0x0, v3  }
0x88: {  	v3 =	vmin.u32 v3, $0x40  }
0x89: {  	[tilespmem:$0x4B0] =	vst v3  }
0x8a: {  	v3 =	vld.idx.msk [tilespmem:v1+s29+$0x40 ss:$0x1], $0xffff;
	_ =	sdelay $0x4  }
0x8b: {  	v3 =	vsub.s32 v3, v2  }
0x8c: {  	v3 =	vadd.s32 $0x20, v3  }
0x8d: {  	vm12 =	vgt.s32 v3, $0x0  }
0x8e: {  	v3 =	vnsel vm12, $0x0, v3  }
0x8f: {  	v3 =	vmin.u32 v3, $0x40  }
0x90: {  	[tilespmem:$0x4C0] =	vst v3  }
0x91: {  	v3 =	vld.idx.msk [tilespmem:v1+s29+$0x50 ss:$0x1], $0xffff;
	_ =	sdelay $0x4  }
0x92: {  	v3 =	vsub.s32 v3, v2  }
0x93: {  	v3 =	vadd.s32 $0x20, v3  }
0x94: {  	vm13 =	vgt.s32 v3, $0x0  }
0x95: {  	v3 =	vnsel vm13, $0x0, v3  }
0x96: {  	v3 =	vmin.u32 v3, $0x40  }
0x97: {  	[tilespmem:$0x4D0] =	vst v3  }
0x98: {  	v3 =	vld.idx.msk [tilespmem:v1+s29+$0x60 ss:$0x1], $0xffff;
	_ =	sdelay $0x4  }
0x99: {  	v3 =	vsub.s32 v3, v2  }
0x9a: {  	v3 =	vadd.s32 $0x20, v3  }
0x9b: {  	vm14 =	vgt.s32 v3, $0x0  }
0x9c: {  	v3 =	vnsel vm14, $0x0, v3  }
0x9d: {  	v3 =	vmin.u32 v3, $0x40  }
0x9e: {  	[tilespmem:$0x4E0] =	vst v3  }
0x9f: {  	v3 =	vld.idx.msk [tilespmem:v1+s29+$0x70 ss:$0x1], $0xffff;
	_ =	sdelay $0x4  }
0xa0: {  	v2 =	vsub.s32 v3, v2  }
0xa1: {  	v2 =	vadd.s32 $0x20, v2  }
0xa2: {  	vm15 =	vgt.s32 v2, $0x0  }
0xa3: {  	s28 =	sshll.u32 s28, $0xD;
	v2 =	vnsel vm15, $0x0, v2  }
0xa4: {  	s30 =	sadd.s32 s1, s28;
	s29 =	sshll.u32 s29, $0x4;
	v2 =	vmin.u32 v2, $0x40  }
0xa5: {  	s29 =	sadd.s32 s29, s30;
	[tilespmem:$0x4F0] =	vst v2  }
0xa6: {  	[tilespmem:s14], [sflag:$0x2] =	stream.linear.gather [hbm4b:s29+s5], $0x4000, $0x38;
	[tilespmem:$0x8708] =	vst v63  }
0xa7: {  	_ =	swait.ge [sflag:s15], $0x4000  }
0xa8: {  	[sflag:s15] =	ssyncset.done $0x0  }
0xa9: {  	s31 =	sadd.s32 $0xFFFFF800, s23;
	[sflag:s15] =	ssyncadd.s32 $0xFFFFC000  }
0xaa: {  	[tilespmem:s13], [sflag:$0x5] =	stream.indirect.gather.add.f32 [spmem:s4], $0x80, s17, s16, $0xb8;
	[tilespmem:$0x8708] =	vst v63  }
0xab: {  	s29 =	sand.u32 $0x1000, s31;
	_ =	swait.ge [sflag:s12], $0x4000  }
0xac: {  	p1 =	seq.s32 s23, $0x3F800;
	s29 =	sadd.s32 s3, s29;
	[sflag:s12] =	ssyncset.done $0x0  }
.Ltmp4:
0xad: {  	s29 =	sadd.s32 s28, s29;
	[sflag:s12] =	ssyncadd.s32 $0xFFFFC000;
	(pc) =	sbr.rel @p1 .LBB2_4-.Ltmp4, $4  }
0xae: {  	[hbm4b:s29+s5] =	stream.linear.scatter [tilespmem:s13], [sflag:$0x3], $0x4000, $0x38;
	[tilespmem:$0x8708] =	vst v63  }
0xaf: {  	_ =	swait.ge [sflag:s18], $0x4000  }
0xb0: {  	[sflag:s18] =	ssyncset.done $0x0  }
0xb1: {  	[sflag:s18] =	ssyncadd.s32 $0xFFFFC000  }
0xb2: {  	s29 =	sshrl.u32 s25, $0x2  }
0xb3: {  	s29 =	sadd.s32 s7, s29  }
0xb4: {  	v2 =	vmov s29;
	_ =	sdelay $0x1  }
0xb5: {  	s30 =	sand.u32 $0x100, s24;
	s31 =	sand.u32 $0x600, s29  }
0xb6: {  	s31 =	sor.u32 s30, s31  }
0xb7: {  	v3 =	vld [tilespmem:s31+$0x0]  }
0xb8: {  	v2 =	vld.idx.msk [tilespmem:v2+s5+$0x0], $0xffff;
	_ =	sdelay $0x4  }
0xb9: {  	v3 =	vsub.s32 v3, v2  }
0xba: {  	v3 =	vadd.s32 $0x20, v3  }
0xbb: {  	vm0 =	vgt.s32 v3, $0x0  }
0xbc: {  	v3 =	vnsel vm0, $0x0, v3  }
0xbd: {  	v3 =	vmin.u32 v3, $0x40  }
0xbe: {  	[tilespmem:$0x400] =	vst v3  }
0xbf: {  	v3 =	vld [tilespmem:s31+$0x10];
	_ =	sdelay $0x4  }
0xc0: {  	v3 =	vsub.s32 v3, v2  }
0xc1: {  	v3 =	vadd.s32 $0x20, v3  }
0xc2: {  	vm9 =	vgt.s32 v3, $0x0  }
0xc3: {  	v3 =	vnsel vm9, $0x0, v3  }
0xc4: {  	v3 =	vmin.u32 v3, $0x40  }
0xc5: {  	[tilespmem:$0x410] =	vst v3  }
0xc6: {  	v3 =	vld [tilespmem:s31+$0x20];
	_ =	sdelay $0x4  }
0xc7: {  	v3 =	vsub.s32 v3, v2  }
0xc8: {  	v3 =	vadd.s32 $0x20, v3  }
0xc9: {  	vm10 =	vgt.s32 v3, $0x0  }
0xca: {  	v3 =	vnsel vm10, $0x0, v3  }
0xcb: {  	v3 =	vmin.u32 v3, $0x40  }
0xcc: {  	[tilespmem:$0x420] =	vst v3  }
0xcd: {  	v3 =	vld [tilespmem:s31+$0x30];
	_ =	sdelay $0x4  }
0xce: {  	v3 =	vsub.s32 v3, v2  }
0xcf: {  	v3 =	vadd.s32 $0x20, v3  }
0xd0: {  	vm11 =	vgt.s32 v3, $0x0  }
0xd1: {  	v3 =	vnsel vm11, $0x0, v3  }
0xd2: {  	v3 =	vmin.u32 v3, $0x40  }
0xd3: {  	[tilespmem:$0x430] =	vst v3  }
0xd4: {  	v3 =	vld [tilespmem:s31+$0x40];
	_ =	sdelay $0x4  }
0xd5: {  	v3 =	vsub.s32 v3, v2  }
0xd6: {  	v3 =	vadd.s32 $0x20, v3  }
0xd7: {  	vm12 =	vgt.s32 v3, $0x0  }
0xd8: {  	v3 =	vnsel vm12, $0x0, v3  }
0xd9: {  	v3 =	vmin.u32 v3, $0x40  }
0xda: {  	[tilespmem:$0x440] =	vst v3  }
0xdb: {  	v3 =	vld [tilespmem:s31+$0x50];
	_ =	sdelay $0x4  }
0xdc: {  	v3 =	vsub.s32 v3, v2  }
0xdd: {  	v3 =	vadd.s32 $0x20, v3  }
0xde: {  	vm13 =	vgt.s32 v3, $0x0  }
0xdf: {  	v3 =	vnsel vm13, $0x0, v3  }
0xe0: {  	v3 =	vmin.u32 v3, $0x40  }
0xe1: {  	[tilespmem:$0x450] =	vst v3  }
0xe2: {  	v3 =	vld [tilespmem:s31+$0x60];
	_ =	sdelay $0x4  }
0xe3: {  	v3 =	vsub.s32 v3, v2  }
0xe4: {  	v3 =	vadd.s32 $0x20, v3  }
0xe5: {  	vm14 =	vgt.s32 v3, $0x0  }
0xe6: {  	v3 =	vnsel vm14, $0x0, v3  }
0xe7: {  	v3 =	vmin.u32 v3, $0x40  }
0xe8: {  	[tilespmem:$0x460] =	vst v3  }
0xe9: {  	v3 =	vld [tilespmem:s31+$0x70];
	_ =	sdelay $0x4  }
0xea: {  	v2 =	vsub.s32 v3, v2  }
0xeb: {  	v2 =	vadd.s32 $0x20, v2  }
.Ltmp5:
0xec: {  	vm15 =	vgt.s32 v2, $0x0;
	(pc) =	sbr.rel .LBB2_4-.Ltmp5, $4  }
0xed: {  	s30 =	sshll.u32 s30, $0x4;
	v2 =	vnsel vm15, $0x0, v2  }
0xee: {  	s29 =	sshll.u32 s29, $0xD;
	s30 =	sadd.s32 s1, s30;
	v2 =	vmin.u32 v2, $0x40  }
0xef: {  	s29 =	sadd.s32 s29, s30;
	[tilespmem:$0x470] =	vst v2  }
0xf0: {  	[tilespmem:s13], [sflag:$0x1] =	stream.linear.gather [hbm4b:s29+s5], $0x4000, $0x38;
	[tilespmem:$0x8708] =	vst v63  }
.LBB2_6:
0xf1: {  	_ =	sfence.sel $0x180000  }
0xf2: {  	[bflag:$0x0] =	sbarrier.arrive $0xFFFF  }
0xf3: {  	_ =	strace $0x90000047  }
0xf4: {  	s0 =	sadd.s32 @!p0 $0x100000, s0;
	[bflag:$0x2] =	sbarrier.arrive $0xFFFF  }
0xf5: {  	[sflag:s0] =	ssyncadd.tile.s32 @!p0 $0x1;
	_ =	shalt  }
.Lfunc_end2:
_tile_overlayer_lowered:
.L_overlay_start_2:
0xf6: {  	(tag) =	ssettag $0x2  }
0xf7: {  	s0 =	rddreg [dreg:$0x0];
	s2 =	stileid.u32  }
0xf8: {  	s1 =	rddreg [dreg:$0x1];
	p0 =	sne.s32 s2, $0x0  }
0xf9: {  	s3 =	rddreg [dreg:$0x2];
	[bflag:$0x3] =	sbarrier.arrive $0xFFFF;
	s2 =	simm.s32 @!p0 $0x1C05  }
0xfa: {  	[timem:s3], [sflag:s2] =	dma.local @!p0 [hbm:s0], s1  }
0xfb: {  	s0 =	simm.s32 @!p0 $0x5  }
0xfc: {  	_ =	swait.ge @!p0 [sflag:s0], s1  }
0xfd: {  	s1 =	ssub.s32 @!p0 $0x0, s1;
	[sflag:s0] =	ssyncset.done @!p0 $0x0  }
0xfe: {  	[sflag:s0] =	ssyncadd.s32 @!p0 s1  }
0xff: {  	[bflag:$0x3] =	sbarrier.arrive $0xFFFF  }
0x100: {  	_ =	shalt  }

</sc_bundles>
